<compile_context>
chip_gen: v7x
topology: tpu7x:2x2x1
jax: 0.10.2.dev20260603
libtpu: 0.0.44.dev20260713+nightly
codegen_flags: <defaults>
</compile_context>

<pallas_src>
import functools

import jax
import jax.numpy as jnp
from jax import lax
from jax.experimental import pallas as pl
from jax.experimental.pallas import tpu as pltpu
from jax.experimental.pallas import tpu_sc as plsc

N = 10000
T = 2048
E = 320000
D = 128
O = 64

NC = 2
NS = 16
NW = NC * NS

C = 192
NB = 2
NCH0 = 72
NCH1 = 34
NCH_MAX = max(NCH0, NCH1)
E_PAD = NS * (NCH0 + NCH1) * C
DP = D // 2
CW = 16
T_PAD = ((T + 1 + NS * 8 - 1) // (NS * 8)) * (NS * 8)
RT = T_PAD // NS


def _sc_accumulate(xp, src_w, dst_w, zsum, zcnt, cw=CW):
    mesh = plsc.VectorSubcoreMesh(core_axis_name="c", subcore_axis_name="s",
                                  num_cores=NC, num_subcores=NS)

    @functools.partial(
        pl.kernel,
        out_type=(
            jax.ShapeDtypeStruct((NC, T_PAD, D), jnp.float32),
            jax.ShapeDtypeStruct((NC, T_PAD, cw), jnp.float32),
        ),
        mesh=mesh,
        compiler_params=pltpu.CompilerParams(use_tc_tiling_on_sc=False,
                                             needs_layout_passes=False),
        scratch_types=[
            pltpu.VMEM((NCH_MAX, C), jnp.int32),
            pltpu.VMEM((NCH_MAX, C), jnp.int32),
            [pltpu.VMEM((C, DP), jnp.int32)] * NB,
            [pltpu.VMEM((C, D), jnp.float32)] * NB,
            pltpu.VMEM((C, cw), jnp.float32),
            pltpu.VMEM_SHARED((T_PAD, D), jnp.float32),
            pltpu.VMEM_SHARED((T_PAD, cw), jnp.float32),
            pltpu.SemaphoreType.DMA,
            [pltpu.SemaphoreType.DMA] * NB,
            [pltpu.SemaphoreType.DMA] * NB,
        ],
    )
    def body(xp_hbm, src_hbm, dst_hbm, zsum_hbm, zcnt_hbm,
             sums_out, cnt_out, src_v, dst_v, gbuf, fbuf, ones_v,
             acc_sh, cnt_sh, sem_g, sems_s, sems_o):
        ci = lax.axis_index("c")
        si = lax.axis_index("s")
        ncho = jnp.where(ci == 0, NCH0, NCH1)
        off = jnp.where(ci == 0, si * NCH0, NS * NCH0 + si * NCH1)

        pltpu.sync_copy(zsum_hbm.at[pl.ds(si * RT, RT)],
                        acc_sh.at[pl.ds(si * RT, RT)])
        pltpu.sync_copy(zcnt_hbm.at[pl.ds(si * RT, RT)],
                        cnt_sh.at[pl.ds(si * RT, RT)])
        pltpu.sync_copy(src_hbm.at[pl.ds(off, NCH_MAX)], src_v)
        pltpu.sync_copy(dst_hbm.at[pl.ds(off, NCH_MAX)], dst_v)

        def fill(i, carry):
            ones_v[i // (cw // 16), pl.ds((i % (cw // 16)) * 16, 16)] = (
                jnp.ones((16,), jnp.float32))
            return carry

        lax.fori_loop(0, C * (cw // 16), fill, 0)
        plsc.subcore_barrier()

        def gather(j, b):
            pltpu.async_copy(xp_hbm.at[src_v.at[j]], gbuf[b], sem_g)

        def gather_wait(j, b):
            pltpu.make_async_copy(xp_hbm.at[src_v.at[j]], gbuf[b],
                                  sem_g).wait()

        def unpack(b):
            hi_mask = jnp.full((16,), -65536, jnp.int32)

            @plsc.parallel_loop(0, C, unroll=4)
            def _(r):
                for w in range(DP // 16):
                    v = gbuf[b][r, pl.ds(w * 16, 16)]
                    lo = plsc.bitcast(lax.shift_left(v, 16), jnp.float32)
                    hi = plsc.bitcast(lax.bitwise_and(v, hi_mask),
                                      jnp.float32)
                    fbuf[b][r, pl.ds(w * 16, 16)] = lo
                    fbuf[b][r, pl.ds(DP + w * 16, 16)] = hi

        def scatter(j, b):
            pltpu.async_copy(fbuf[b], acc_sh.at[dst_v.at[j]], sems_s[b],
                             add=True)
            pltpu.async_copy(ones_v, cnt_sh.at[dst_v.at[j]], sems_o[b],
                             add=True)

        def scatter_wait(j, b):
            pltpu.make_async_copy(fbuf[b], acc_sh.at[dst_v.at[j]],
                                  sems_s[b]).wait()
            pltpu.make_async_copy(ones_v, cnt_sh.at[dst_v.at[j]],
                                  sems_o[b]).wait()

        gather(0, 0)

        def group(g, carry):
            for b in range(NB):
                j = g * NB + b
                gather_wait(j, b)

                @pl.when(j + 1 < ncho)
                def _():
                    gather(j + 1, 1 - b)

                @pl.when(j >= 2)
                def _():
                    scatter_wait(j - 2, b)

                unpack(b)
                scatter(j, b)
            return carry

        lax.fori_loop(0, ncho // NB, group, 0)
        scatter_wait(ncho - 2, 0)
        scatter_wait(ncho - 1, 1)
        plsc.subcore_barrier()

        pltpu.sync_copy(acc_sh.at[pl.ds(si * RT, RT)],
                        sums_out.at[ci, pl.ds(si * RT, RT)])
        pltpu.sync_copy(cnt_sh.at[pl.ds(si * RT, RT)],
                        cnt_out.at[ci, pl.ds(si * RT, RT)])

    return body(xp, src_w, dst_w, zsum, zcnt)


def _tc_combine(sums_ref, cnt_ref, xt_ref, wl_ref, bl_ref, wr_ref, out_ref):
    s = sums_ref[0][:T] + sums_ref[1][:T]
    c = cnt_ref[0][:T, 0:1] + cnt_ref[1][:T, 0:1]
    mean = s / jnp.maximum(c, 1.0)
    h = lax.dot_general(mean, wl_ref[...],
                        (((1,), (1,)), ((), ())),
                        preferred_element_type=jnp.float32)
    h = h + bl_ref[...]
    h = h + lax.dot_general(xt_ref[...], wr_ref[...],
                            (((1,), (1,)), ((), ())),
                            preferred_element_type=jnp.float32)
    m = jnp.max(h, axis=-1, keepdims=True)
    e = h - m
    lse = jnp.log(jnp.sum(jnp.exp(e), axis=-1, keepdims=True))
    out_ref[...] = e - lse


def kernel(x, edge_index, num_target, W_l, b_l, W_r):
    del num_target
    src = edge_index[0]
    dst = edge_index[1]
    pad = E_PAD - E
    src_w = jnp.concatenate(
        [src, jnp.zeros((pad + NCH_MAX * C,), jnp.int32)]).reshape(-1, C)
    dst_w = jnp.concatenate(
        [dst, jnp.full((pad,), T, jnp.int32),
         jnp.zeros((NCH_MAX * C,), jnp.int32)]).reshape(-1, C)
    xb = x.astype(jnp.bfloat16)
    xp = lax.bitcast_convert_type(
        jnp.stack([xb[:, :DP], xb[:, DP:]], axis=-1), jnp.int32)
    zsum = jnp.zeros((T_PAD, D), jnp.float32)
    zcnt = jnp.zeros((T_PAD, CW), jnp.float32)
    sums, cnt = _sc_accumulate(xp, src_w, dst_w, zsum, zcnt)

    out = pl.pallas_call(
        _tc_combine,
        out_shape=jax.ShapeDtypeStruct((T, O), jnp.float32),
    )(sums, cnt, x[:T], W_l, b_l.reshape(1, O), W_r)
    return out

# --- scband reference (transcript-rebuilt; emitter-appended) ---
"""Pipeline reference for scband-pasage-74148315398468 (READ-ONLY COPY).

The authoritative reference and input builder live on the scoring server;
editing this copy changes nothing except your own understanding.
"""

import jax, jax.numpy as jnp
import numpy as np

N = 10000
T = 2048
E = 320000
D = 128
O = 64


def setup_inputs(seed: int = 0) -> dict:
    key = jax.random.key(seed)
    k1, k2, k3, k4, k5 = jax.random.split(key, 5)
    x = jax.random.normal(k1, (N, D), dtype=jnp.float32)
    src = jax.random.randint(k2, (E,), 0, N, dtype=jnp.int32)
    dst = jax.random.randint(k3, (E,), 0, T, dtype=jnp.int32)
    edge_index = jnp.stack([src, dst], axis=0)
    # SAGEConv params: lin_l (neighbor aggregation, with bias), lin_r (root, no bias)
    W_l = jax.random.normal(k4, (O, D), dtype=jnp.float32) * 0.05
    b_l = jnp.zeros((O,), dtype=jnp.float32)
    W_r = jax.random.normal(k5, (O, D), dtype=jnp.float32) * 0.05
    return {"x": x, "edge_index": edge_index, "num_target": T,
            "W_l": W_l, "b_l": b_l, "W_r": W_r}


def reference(x, edge_index, num_target, W_l, b_l, W_r):
    # PASAGE.forward: x_target = x[:size[1]]; SAGEConv((x, x_target), edge_index); log_softmax
    src = edge_index[0]
    dst = edge_index[1] + num_target * 0
    # mean aggregation of source-node features onto target nodes
    msgs = jnp.take(x, src, axis=0)                      # gather [E, D]
    sums = jax.ops.segment_sum(msgs, dst, num_segments=T)   # scatter-add [T, D]
    cnt = jax.ops.segment_sum(jnp.ones((msgs.shape[0], 1), dtype=x.dtype), dst,
                              num_segments=T)
    mean = sums / jnp.maximum(cnt, 1.0)
    x_target = x[:T]
    out = mean @ W_l.T + b_l + x_target @ W_r.T
    return jax.nn.log_softmax(out, axis=-1)

if __name__ == "__main__":
    import jax
    _d = setup_inputs()
    print(jax.jit(kernel)(*tuple(_d.values())))

</pallas_src>

<mosaic_0001>
#map = affine_map<(d0, d1) -> (0, 0)>
#map1 = affine_map<(d0, d1) -> (0, 0, 0)>
module attributes {stable_mosaic.version = 14 : i64} {
  func.func @body(%arg0: i32, %arg1: i32, %arg2: memref<10000x64xi32, #tpu.memory_space<hbm>>, %arg3: memref<1768x192xi32, #tpu.memory_space<hbm>>, %arg4: memref<1768x192xi32, #tpu.memory_space<hbm>>, %arg5: memref<2176x128xf32, #tpu.memory_space<hbm>>, %arg6: memref<2176x16xf32, #tpu.memory_space<hbm>>, %arg7: memref<2x2176x128xf32, #tpu.memory_space<hbm>>, %arg8: memref<2x2176x16xf32, #tpu.memory_space<hbm>>, %arg9: memref<72x192xi32, #tpu.memory_space<vmem>>, %arg10: memref<72x192xi32, #tpu.memory_space<vmem>>, %arg11: memref<192x64xi32, #tpu.memory_space<vmem>>, %arg12: memref<192x64xi32, #tpu.memory_space<vmem>>, %arg13: memref<192x128xf32, #tpu.memory_space<vmem>>, %arg14: memref<192x128xf32, #tpu.memory_space<vmem>>, %arg15: memref<192x16xf32, #tpu.memory_space<vmem>>, %arg16: memref<2176x128xf32, #tpu.memory_space<vmem_shared>>, %arg17: memref<2176x16xf32, #tpu.memory_space<vmem_shared>>, %arg18: memref<!tpu.dma_semaphore, #tpu.memory_space<semaphore_mem>>, %arg19: memref<!tpu.dma_semaphore, #tpu.memory_space<semaphore_mem>>, %arg20: memref<!tpu.dma_semaphore, #tpu.memory_space<semaphore_mem>>, %arg21: memref<!tpu.dma_semaphore, #tpu.memory_space<semaphore_mem>>, %arg22: memref<!tpu.dma_semaphore, #tpu.memory_space<semaphore_mem>>) attributes {dimension_semantics = [#tpu.dimension_semantics<core_parallel>, #tpu.dimension_semantics<subcore_parallel>], iteration_bounds = array<i64: 2, 16>, scalar_prefetch = 0 : i64, scratch_operands = 14 : i64, tpu.core_type = #tpu.core_type<sc_vector_subcore>, window_params = [{transform_indices = #map}, {transform_indices = #map}, {transform_indices = #map}, {transform_indices = #map}, {transform_indices = #map}, {transform_indices = #map1}, {transform_indices = #map1}]} {
    %eq3A = arith.constant 0 : i32
    %eq3A_0 = arith.cmpi eq, %arg0, %eq3A : i32
    %jit3A = arith.constant 72 : i32
    %jit3A_1 = arith.constant 34 : i32
    %select_n3A = arith.select %eq3A_0, %jit3A, %jit3A_1 : i32
    %eq3A_2 = arith.constant 0 : i32
    %eq3A_3 = arith.cmpi eq, %arg0, %eq3A_2 : i32
    %mul3A = arith.constant 72 : i32
    %mul3A_4 = arith.muli %arg1, %mul3A : i32
    %mul3A_5 = arith.constant 34 : i32
    %mul3A_6 = arith.muli %arg1, %mul3A_5 : i32
    %add3A = arith.constant 1152 : i32
    %add3A_7 = arith.addi %add3A, %mul3A_6 : i32
    %select_n3A_8 = arith.select %eq3A_3, %mul3A_4, %add3A_7 : i32
    %mul3A_9 = arith.constant 136 : i32
    %mul3A_10 = arith.muli %arg1, %mul3A_9 : i32
    %mul3A_11 = arith.constant 136 : i32
    %mul3A_12 = arith.muli %arg1, %mul3A_11 : i32
    "tpu.region"() ({
      %run_scoped3A = tpu.sem_alloc : memref<!tpu.dma_semaphore, #tpu.memory_space<semaphore_mem>>
      %dma_start3A_91 = arith.constant 0 : i32
      %dma_start3A_92 = tpu.memref_slice %arg16[%mul3A_12, %dma_start3A_91] : memref<2176x128xf32, #tpu.memory_space<vmem_shared>> -> memref<136x128xf32, #tpu.memory_space<vmem_shared>>
      %dma_start3A_93 = arith.constant 0 : i32
      %dma_start3A_94 = tpu.memref_slice %arg5[%mul3A_10, %dma_start3A_93] : memref<2176x128xf32, #tpu.memory_space<hbm>> -> memref<136x128xf32, #tpu.memory_space<hbm>>
      tpu.enqueue_dma source(%dma_start3A_94 : memref<136x128xf32, #tpu.memory_space<hbm>>) target(%dma_start3A_92 : memref<136x128xf32, #tpu.memory_space<vmem_shared>>) target_semaphore(%run_scoped3A : memref<!tpu.dma_semaphore, #tpu.memory_space<semaphore_mem>>)
      %dma_wait3A_95 = arith.constant 0 : i32
      %dma_wait3A_96 = tpu.memref_slice %arg16[%mul3A_12, %dma_wait3A_95] : memref<2176x128xf32, #tpu.memory_space<vmem_shared>> -> memref<136x128xf32, #tpu.memory_space<vmem_shared>>
      %dma_wait3A_97 = arith.constant 0 : i32
      %dma_wait3A_98 = tpu.memref_slice %arg5[%mul3A_10, %dma_wait3A_97] : memref<2176x128xf32, #tpu.memory_space<hbm>> -> memref<136x128xf32, #tpu.memory_space<hbm>>
      tpu.wait_dma2 semaphore(%run_scoped3A : memref<!tpu.dma_semaphore, #tpu.memory_space<semaphore_mem>>) src(%dma_wait3A_98 : memref<136x128xf32, #tpu.memory_space<hbm>>) dst(%dma_wait3A_96 : memref<136x128xf32, #tpu.memory_space<vmem_shared>>)
      tpu.yield
    }) : () -> ()
    %mul3A_13 = arith.constant 136 : i32
    %mul3A_14 = arith.muli %arg1, %mul3A_13 : i32
    %mul3A_15 = arith.constant 136 : i32
    %mul3A_16 = arith.muli %arg1, %mul3A_15 : i32
    "tpu.region"() ({
      %run_scoped3A = tpu.sem_alloc : memref<!tpu.dma_semaphore, #tpu.memory_space<semaphore_mem>>
      %dma_start3A_91 = arith.constant 0 : i32
      %dma_start3A_92 = tpu.memref_slice %arg17[%mul3A_16, %dma_start3A_91] : memref<2176x16xf32, #tpu.memory_space<vmem_shared>> -> memref<136x16xf32, #tpu.memory_space<vmem_shared>>
      %dma_start3A_93 = arith.constant 0 : i32
      %dma_start3A_94 = tpu.memref_slice %arg6[%mul3A_14, %dma_start3A_93] : memref<2176x16xf32, #tpu.memory_space<hbm>> -> memref<136x16xf32, #tpu.memory_space<hbm>>
      tpu.enqueue_dma source(%dma_start3A_94 : memref<136x16xf32, #tpu.memory_space<hbm>>) target(%dma_start3A_92 : memref<136x16xf32, #tpu.memory_space<vmem_shared>>) target_semaphore(%run_scoped3A : memref<!tpu.dma_semaphore, #tpu.memory_space<semaphore_mem>>)
      %dma_wait3A_95 = arith.constant 0 : i32
      %dma_wait3A_96 = tpu.memref_slice %arg17[%mul3A_16, %dma_wait3A_95] : memref<2176x16xf32, #tpu.memory_space<vmem_shared>> -> memref<136x16xf32, #tpu.memory_space<vmem_shared>>
      %dma_wait3A_97 = arith.constant 0 : i32
      %dma_wait3A_98 = tpu.memref_slice %arg6[%mul3A_14, %dma_wait3A_97] : memref<2176x16xf32, #tpu.memory_space<hbm>> -> memref<136x16xf32, #tpu.memory_space<hbm>>
      tpu.wait_dma2 semaphore(%run_scoped3A : memref<!tpu.dma_semaphore, #tpu.memory_space<semaphore_mem>>) src(%dma_wait3A_98 : memref<136x16xf32, #tpu.memory_space<hbm>>) dst(%dma_wait3A_96 : memref<136x16xf32, #tpu.memory_space<vmem_shared>>)
      tpu.yield
    }) : () -> ()
    "tpu.region"() ({
      %run_scoped3A = tpu.sem_alloc : memref<!tpu.dma_semaphore, #tpu.memory_space<semaphore_mem>>
      %dma_start3A_91 = arith.constant 0 : i32
      %dma_start3A_92 = tpu.memref_slice %arg3[%select_n3A_8, %dma_start3A_91] : memref<1768x192xi32, #tpu.memory_space<hbm>> -> memref<72x192xi32, #tpu.memory_space<hbm>>
      %dma_start3A_93 = arith.constant 0 : i32
      %dma_start3A_94 = tpu.memref_slice %arg3[%select_n3A_8, %dma_start3A_93] : memref<1768x192xi32, #tpu.memory_space<hbm>> -> memref<72x192xi32, #tpu.memory_space<hbm>>
      tpu.enqueue_dma source(%dma_start3A_94 : memref<72x192xi32, #tpu.memory_space<hbm>>) target(%arg9 : memref<72x192xi32, #tpu.memory_space<vmem>>) target_semaphore(%run_scoped3A : memref<!tpu.dma_semaphore, #tpu.memory_space<semaphore_mem>>)
      %dma_wait3A_95 = arith.constant 0 : i32
      %dma_wait3A_96 = tpu.memref_slice %arg3[%select_n3A_8, %dma_wait3A_95] : memref<1768x192xi32, #tpu.memory_space<hbm>> -> memref<72x192xi32, #tpu.memory_space<hbm>>
      %dma_wait3A_97 = arith.constant 0 : i32
      %dma_wait3A_98 = tpu.memref_slice %arg3[%select_n3A_8, %dma_wait3A_97] : memref<1768x192xi32, #tpu.memory_space<hbm>> -> memref<72x192xi32, #tpu.memory_space<hbm>>
      tpu.wait_dma2 semaphore(%run_scoped3A : memref<!tpu.dma_semaphore, #tpu.memory_space<semaphore_mem>>) src(%dma_wait3A_98 : memref<72x192xi32, #tpu.memory_space<hbm>>) dst(%arg9 : memref<72x192xi32, #tpu.memory_space<vmem>>)
      tpu.yield
    }) : () -> ()
    "tpu.region"() ({
      %run_scoped3A = tpu.sem_alloc : memref<!tpu.dma_semaphore, #tpu.memory_space<semaphore_mem>>
      %dma_start3A_91 = arith.constant 0 : i32
      %dma_start3A_92 = tpu.memref_slice %arg4[%select_n3A_8, %dma_start3A_91] : memref<1768x192xi32, #tpu.memory_space<hbm>> -> memref<72x192xi32, #tpu.memory_space<hbm>>
      %dma_start3A_93 = arith.constant 0 : i32
      %dma_start3A_94 = tpu.memref_slice %arg4[%select_n3A_8, %dma_start3A_93] : memref<1768x192xi32, #tpu.memory_space<hbm>> -> memref<72x192xi32, #tpu.memory_space<hbm>>
      tpu.enqueue_dma source(%dma_start3A_94 : memref<72x192xi32, #tpu.memory_space<hbm>>) target(%arg10 : memref<72x192xi32, #tpu.memory_space<vmem>>) target_semaphore(%run_scoped3A : memref<!tpu.dma_semaphore, #tpu.memory_space<semaphore_mem>>)
      %dma_wait3A_95 = arith.constant 0 : i32
      %dma_wait3A_96 = tpu.memref_slice %arg4[%select_n3A_8, %dma_wait3A_95] : memref<1768x192xi32, #tpu.memory_space<hbm>> -> memref<72x192xi32, #tpu.memory_space<hbm>>
      %dma_wait3A_97 = arith.constant 0 : i32
      %dma_wait3A_98 = tpu.memref_slice %arg4[%select_n3A_8, %dma_wait3A_97] : memref<1768x192xi32, #tpu.memory_space<hbm>> -> memref<72x192xi32, #tpu.memory_space<hbm>>
      tpu.wait_dma2 semaphore(%run_scoped3A : memref<!tpu.dma_semaphore, #tpu.memory_space<semaphore_mem>>) src(%dma_wait3A_98 : memref<72x192xi32, #tpu.memory_space<hbm>>) dst(%arg10 : memref<72x192xi32, #tpu.memory_space<vmem>>)
      tpu.yield
    }) : () -> ()
    %scan3A = arith.constant 0 : i32
    %scan3A_17 = arith.constant 0 : i32
    %scan3A_18 = arith.constant 192 : i32
    %scan3A_19 = arith.addi %scan3A_17, %scan3A_18 : i32
    %scan3A_20 = arith.constant 1 : i32
    scf.for %scan3A_91 = %scan3A_17 to %scan3A_19 step %scan3A_20  : i32 {
      %broadcast_in_dim3A = arith.constant 1.000000e+00 : f32
      %broadcast_in_dim3A_92 = vector.broadcast %broadcast_in_dim3A : f32 to vector<16xf32>
      %jit3A_93 = arith.constant 1 : i32
      %div3A_94 = arith.divsi %scan3A_91, %jit3A_93 : i32
      %sign3A_95 = arith.constant 0 : i32
      %sign3A_96 = arith.cmpi sgt, %scan3A_91, %sign3A_95 : i32
      %sign3A_97 = arith.extui %sign3A_96 : i1 to i32
      %sign3A_98 = arith.constant 0 : i32
      %sign3A_99 = arith.cmpi slt, %scan3A_91, %sign3A_98 : i32
      %sign3A_100 = arith.extui %sign3A_99 : i1 to i32
      %sign3A_101 = arith.subi %sign3A_97, %sign3A_100 : i32
      %sign3A_102 = arith.constant 0 : i32
      %sign3A_103 = arith.cmpi sgt, %jit3A_93, %sign3A_102 : i32
      %sign3A_104 = arith.extui %sign3A_103 : i1 to i32
      %sign3A_105 = arith.constant 0 : i32
      %sign3A_106 = arith.cmpi slt, %jit3A_93, %sign3A_105 : i32
      %sign3A_107 = arith.extui %sign3A_106 : i1 to i32
      %sign3A_108 = arith.subi %sign3A_104, %sign3A_107 : i32
      %ne3A_109 = arith.cmpi ne, %sign3A_101, %sign3A_108 : i32
      %rem3A_110 = arith.remsi %scan3A_91, %jit3A_93 : i32
      %ne3A_111 = arith.constant 0 : i32
      %ne3A_112 = arith.cmpi ne, %rem3A_110, %ne3A_111 : i32
      %and3A_113 = arith.andi %ne3A_109, %ne3A_112 : i1
      %sub3A_114 = arith.constant 1 : i32
      %sub3A_115 = arith.subi %div3A_94, %sub3A_114 : i32
      %select_n3A_116 = arith.select %and3A_113, %sub3A_115, %div3A_94 : i32
      %jit3A_117 = arith.constant 1 : i32
      %eq3A_118 = arith.constant 0 : i32
      %eq3A_119 = arith.cmpi eq, %jit3A_117, %eq3A_118 : i32
      %jit3A_120 = arith.constant 1 : i32
      %select_n3A_121 = arith.select %eq3A_119, %jit3A_120, %jit3A_117 : i32
      %rem3A_122 = arith.remsi %scan3A_91, %select_n3A_121 : i32
      %ne3A_123 = arith.constant 0 : i32
      %ne3A_124 = arith.cmpi ne, %rem3A_122, %ne3A_123 : i32
      %lt3A = arith.constant 0 : i32
      %lt3A_125 = arith.cmpi slt, %rem3A_122, %lt3A : i32
      %lt3A_126 = arith.constant 0 : i32
      %lt3A_127 = arith.cmpi slt, %select_n3A_121, %lt3A_126 : i32
      %ne3A_128 = arith.xori %lt3A_125, %lt3A_127 : i1
      %and3A_129 = arith.andi %ne3A_128, %ne3A_124 : i1
      %add3A_130 = arith.addi %rem3A_122, %select_n3A_121 : i32
      %select_n3A_131 = arith.select %and3A_129, %add3A_130, %rem3A_122 : i32
      %mul3A_132 = arith.constant 16 : i32
      %mul3A_133 = arith.muli %select_n3A_131, %mul3A_132 : i32
      %swap3A = arith.index_cast %select_n3A_116 : i32 to index
      %swap3A_134 = arith.index_cast %mul3A_133 : i32 to index
      %swap3A_135 = tpu.vector_load %arg15[%swap3A, %swap3A_134] {strides = array<i32>} : memref<192x16xf32, #tpu.memory_space<vmem>>, vector<16xf32>,
      tpu.vector_store %arg15[%swap3A, %swap3A_134], %broadcast_in_dim3A_92 {strides = array<i32>} : memref<192x16xf32, #tpu.memory_space<vmem>>, vector<16xf32>,
    }
    %scan3A_21 = arith.constant 192 : i32
    %barrier3A = arith.constant 0 : index
    tpu.barrier barrier_id(%barrier3A)
    %dma_start3A = arith.constant 0 : i32
    %dma_start3A_22 = arith.constant 0 : i32
    %dma_start3A_23 = tpu.memref_slice %arg9[%dma_start3A, %dma_start3A_22] : memref<72x192xi32, #tpu.memory_space<vmem>> -> memref<1x192xi32, #tpu.memory_space<vmem>>
    %dma_start3A_24 = tpu.memref_squeeze %dma_start3A_23 : memref<1x192xi32, #tpu.memory_space<vmem>> -> memref<192xi32, #tpu.memory_space<vmem>>
    %dma_start3A_25 = arith.constant 0 : i32
    %dma_start3A_26 = arith.constant 0 : i32
    %dma_start3A_27 = tpu.memref_slice %arg2[%dma_start3A_25, %dma_start3A_26] : memref<10000x64xi32, #tpu.memory_space<hbm>> -> memref<10000x64xi32, #tpu.memory_space<hbm>>
    tpu.enqueue_indirect_dma source(%dma_start3A_27 : memref<10000x64xi32, #tpu.memory_space<hbm>>) target(%arg11 : memref<192x64xi32, #tpu.memory_space<vmem>>) offsets(%dma_start3A_24 : memref<192xi32, #tpu.memory_space<vmem>>) semaphore(%arg18 : memref<!tpu.dma_semaphore, #tpu.memory_space<semaphore_mem>>)
    %jit3A_28 = arith.constant 2 : i32
    %div3A = arith.divsi %select_n3A, %jit3A_28 : i32
    %sign3A = arith.constant 0 : i32
    %sign3A_29 = arith.cmpi sgt, %select_n3A, %sign3A : i32
    %sign3A_30 = arith.extui %sign3A_29 : i1 to i32
    %sign3A_31 = arith.constant 0 : i32
    %sign3A_32 = arith.cmpi slt, %select_n3A, %sign3A_31 : i32
    %sign3A_33 = arith.extui %sign3A_32 : i1 to i32
    %sign3A_34 = arith.subi %sign3A_30, %sign3A_33 : i32
    %sign3A_35 = arith.constant 0 : i32
    %sign3A_36 = arith.cmpi sgt, %jit3A_28, %sign3A_35 : i32
    %sign3A_37 = arith.extui %sign3A_36 : i1 to i32
    %sign3A_38 = arith.constant 0 : i32
    %sign3A_39 = arith.cmpi slt, %jit3A_28, %sign3A_38 : i32
    %sign3A_40 = arith.extui %sign3A_39 : i1 to i32
    %sign3A_41 = arith.subi %sign3A_37, %sign3A_40 : i32
    %ne3A = arith.cmpi ne, %sign3A_34, %sign3A_41 : i32
    %rem3A = arith.remsi %select_n3A, %jit3A_28 : i32
    %ne3A_42 = arith.constant 0 : i32
    %ne3A_43 = arith.cmpi ne, %rem3A, %ne3A_42 : i32
    %and3A = arith.andi %ne3A, %ne3A_43 : i1
    %sub3A = arith.constant 1 : i32
    %sub3A_44 = arith.subi %div3A, %sub3A : i32
    %select_n3A_45 = arith.select %and3A, %sub3A_44, %div3A : i32
    %while3A = arith.constant 0 : i32
    %while3A_46 = arith.constant 0 : i32
    %while3A_47 = arith.subi %select_n3A_45, %while3A_46 : i32
    %while3A_48 = arith.addi %while3A_46, %while3A_47 : i32
    %while3A_49 = arith.constant 1 : i32
    %while3A_50 = arith.divsi %while3A_47, %while3A_49 : i32
    %while3A_51 = arith.muli %while3A_50, %while3A_49 : i32
    %while3A_52 = arith.addi %while3A_46, %while3A_51 : i32
    %while3A_53 = arith.constant 1 : i32
    scf.for %while3A_91 = %while3A_46 to %while3A_52 step %while3A_53  : i32 {
      %mul3A_92 = arith.constant 2 : i32
      %mul3A_93 = arith.muli %while3A_91, %mul3A_92 : i32
      %add3A_94 = arith.constant 0 : i32
      %add3A_95 = arith.addi %mul3A_93, %add3A_94 : i32
      %dma_wait3A_96 = arith.constant 0 : i32
      %dma_wait3A_97 = tpu.memref_slice %arg9[%add3A_95, %dma_wait3A_96] : memref<72x192xi32, #tpu.memory_space<vmem>> -> memref<1x192xi32, #tpu.memory_space<vmem>>
      %dma_wait3A_98 = tpu.memref_squeeze %dma_wait3A_97 : memref<1x192xi32, #tpu.memory_space<vmem>> -> memref<192xi32, #tpu.memory_space<vmem>>
      %dma_wait3A_99 = arith.constant 0 : i32
      %dma_wait3A_100 = arith.constant 0 : i32
      %dma_wait3A_101 = tpu.memref_slice %arg2[%dma_wait3A_99, %dma_wait3A_100] : memref<10000x64xi32, #tpu.memory_space<hbm>> -> memref<10000x64xi32, #tpu.memory_space<hbm>>
      tpu.wait_indirect_dma semaphore(%arg18 : memref<!tpu.dma_semaphore, #tpu.memory_space<semaphore_mem>>) src(%dma_wait3A_101 : memref<10000x64xi32, #tpu.memory_space<hbm>>) dst(%arg11 : memref<192x64xi32, #tpu.memory_space<vmem>>)
      %add3A_102 = arith.constant 1 : i32
      %add3A_103 = arith.addi %add3A_95, %add3A_102 : i32
      %lt3A = arith.cmpi slt, %add3A_103, %select_n3A : i32
      %convert_element_type3A = arith.extui %lt3A : i1 to i32
      %cond3A = arith.constant 0 : i32
      %cond3A_104 = arith.cmpi ne, %convert_element_type3A, %cond3A : i32
      scf.if %cond3A_104 {
        %add3A_162 = arith.constant 1 : i32
        %add3A_163 = arith.addi %add3A_95, %add3A_162 : i32
        %dma_start3A_164 = arith.constant 0 : i32
        %dma_start3A_165 = tpu.memref_slice %arg9[%add3A_163, %dma_start3A_164] : memref<72x192xi32, #tpu.memory_space<vmem>> -> memref<1x192xi32, #tpu.memory_space<vmem>>
        %dma_start3A_166 = tpu.memref_squeeze %dma_start3A_165 : memref<1x192xi32, #tpu.memory_space<vmem>> -> memref<192xi32, #tpu.memory_space<vmem>>
        %dma_start3A_167 = arith.constant 0 : i32
        %dma_start3A_168 = arith.constant 0 : i32
        %dma_start3A_169 = tpu.memref_slice %arg2[%dma_start3A_167, %dma_start3A_168] : memref<10000x64xi32, #tpu.memory_space<hbm>> -> memref<10000x64xi32, #tpu.memory_space<hbm>>
        tpu.enqueue_indirect_dma source(%dma_start3A_169 : memref<10000x64xi32, #tpu.memory_space<hbm>>) target(%arg12 : memref<192x64xi32, #tpu.memory_space<vmem>>) offsets(%dma_start3A_166 : memref<192xi32, #tpu.memory_space<vmem>>) semaphore(%arg18 : memref<!tpu.dma_semaphore, #tpu.memory_space<semaphore_mem>>)
      } else {
      }
      %ge3A = arith.constant 2 : i32
      %ge3A_105 = arith.cmpi sge, %add3A_95, %ge3A : i32
      %convert_element_type3A_106 = arith.extui %ge3A_105 : i1 to i32
      %cond3A_107 = arith.constant 0 : i32
      %cond3A_108 = arith.cmpi ne, %convert_element_type3A_106, %cond3A_107 : i32
      scf.if %cond3A_108 {
        %sub3A_162 = arith.constant 2 : i32
        %sub3A_163 = arith.subi %add3A_95, %sub3A_162 : i32
        %dma_wait3A_164 = arith.constant 0 : i32
        %dma_wait3A_165 = tpu.memref_slice %arg10[%sub3A_163, %dma_wait3A_164] : memref<72x192xi32, #tpu.memory_space<vmem>> -> memref<1x192xi32, #tpu.memory_space<vmem>>
        %dma_wait3A_166 = tpu.memref_squeeze %dma_wait3A_165 : memref<1x192xi32, #tpu.memory_space<vmem>> -> memref<192xi32, #tpu.memory_space<vmem>>
        %dma_wait3A_167 = arith.constant 0 : i32
        %dma_wait3A_168 = arith.constant 0 : i32
        %dma_wait3A_169 = tpu.memref_slice %arg16[%dma_wait3A_167, %dma_wait3A_168] : memref<2176x128xf32, #tpu.memory_space<vmem_shared>> -> memref<2176x128xf32, #tpu.memory_space<vmem_shared>>
        tpu.wait_indirect_dma semaphore(%arg19 : memref<!tpu.dma_semaphore, #tpu.memory_space<semaphore_mem>>) src(%arg13 : memref<192x128xf32, #tpu.memory_space<vmem>>) dst(%dma_wait3A_169 : memref<2176x128xf32, #tpu.memory_space<vmem_shared>>)
        %dma_wait3A_170 = arith.constant 0 : i32
        %dma_wait3A_171 = tpu.memref_slice %arg10[%sub3A_163, %dma_wait3A_170] : memref<72x192xi32, #tpu.memory_space<vmem>> -> memref<1x192xi32, #tpu.memory_space<vmem>>
        %dma_wait3A_172 = tpu.memref_squeeze %dma_wait3A_171 : memref<1x192xi32, #tpu.memory_space<vmem>> -> memref<192xi32, #tpu.memory_space<vmem>>
        %dma_wait3A_173 = arith.constant 0 : i32
        %dma_wait3A_174 = arith.constant 0 : i32
        %dma_wait3A_175 = tpu.memref_slice %arg17[%dma_wait3A_173, %dma_wait3A_174] : memref<2176x16xf32, #tpu.memory_space<vmem_shared>> -> memref<2176x16xf32, #tpu.memory_space<vmem_shared>>
        tpu.wait_indirect_dma semaphore(%arg21 : memref<!tpu.dma_semaphore, #tpu.memory_space<semaphore_mem>>) src(%arg15 : memref<192x16xf32, #tpu.memory_space<vmem>>) dst(%dma_wait3A_175 : memref<2176x16xf32, #tpu.memory_space<vmem_shared>>)
      } else {
      }
      %broadcast_in_dim3A = arith.constant -65536 : i32
      %broadcast_in_dim3A_109 = vector.broadcast %broadcast_in_dim3A : i32 to vector<16xi32>
      %parallel_loop3A = arith.constant 0 : i32
      %parallel_loop3A_110 = arith.constant 192 : i32
      %parallel_loop3A_111 = arith.constant 1 : i32
      scf.for %parallel_loop3A_162 = %parallel_loop3A to %parallel_loop3A_110 step %parallel_loop3A_111  : i32 {
        %parallel_loop3A_163 = arith.index_cast %parallel_loop3A_162 : i32 to index
        %parallel_loop3A_164 = arith.constant 0 : index
        %parallel_loop3A_165 = tpu.vector_load %arg11[%parallel_loop3A_163, %parallel_loop3A_164] {strides = array<i32>} : memref<192x64xi32, #tpu.memory_space<vmem>>, vector<16xi32>,
        %parallel_loop3A_166 = arith.constant 16 : i32
        %parallel_loop3A_167 = vector.broadcast %parallel_loop3A_166 : i32 to vector<16xi32>
        %parallel_loop3A_168 = arith.shli %parallel_loop3A_165, %parallel_loop3A_167 : vector<16xi32>
        %parallel_loop3A_169 = vector.bitcast %parallel_loop3A_168 : vector<16xi32> to vector<16xf32>
        %parallel_loop3A_170 = arith.andi %parallel_loop3A_165, %broadcast_in_dim3A_109 : vector<16xi32>
        %parallel_loop3A_171 = vector.bitcast %parallel_loop3A_170 : vector<16xi32> to vector<16xf32>
        %parallel_loop3A_172 = arith.index_cast %parallel_loop3A_162 : i32 to index
        %parallel_loop3A_173 = arith.constant 0 : index
        %parallel_loop3A_174 = tpu.vector_load %arg13[%parallel_loop3A_172, %parallel_loop3A_173] {strides = array<i32>} : memref<192x128xf32, #tpu.memory_space<vmem>>, vector<16xf32>,
        tpu.vector_store %arg13[%parallel_loop3A_172, %parallel_loop3A_173], %parallel_loop3A_169 {strides = array<i32>} : memref<192x128xf32, #tpu.memory_space<vmem>>, vector<16xf32>,
        %parallel_loop3A_175 = arith.index_cast %parallel_loop3A_162 : i32 to index
        %parallel_loop3A_176 = arith.constant 64 : index
        %parallel_loop3A_177 = tpu.vector_load %arg13[%parallel_loop3A_175, %parallel_loop3A_176] {strides = array<i32>} : memref<192x128xf32, #tpu.memory_space<vmem>>, vector<16xf32>,
        tpu.vector_store %arg13[%parallel_loop3A_175, %parallel_loop3A_176], %parallel_loop3A_171 {strides = array<i32>} : memref<192x128xf32, #tpu.memory_space<vmem>>, vector<16xf32>,
        %parallel_loop3A_178 = arith.index_cast %parallel_loop3A_162 : i32 to index
        %parallel_loop3A_179 = arith.constant 16 : index
        %parallel_loop3A_180 = tpu.vector_load %arg11[%parallel_loop3A_178, %parallel_loop3A_179] {strides = array<i32>} : memref<192x64xi32, #tpu.memory_space<vmem>>, vector<16xi32>,
        %parallel_loop3A_181 = arith.constant 16 : i32
        %parallel_loop3A_182 = vector.broadcast %parallel_loop3A_181 : i32 to vector<16xi32>
        %parallel_loop3A_183 = arith.shli %parallel_loop3A_180, %parallel_loop3A_182 : vector<16xi32>
        %parallel_loop3A_184 = vector.bitcast %parallel_loop3A_183 : vector<16xi32> to vector<16xf32>
        %parallel_loop3A_185 = arith.andi %parallel_loop3A_180, %broadcast_in_dim3A_109 : vector<16xi32>
        %parallel_loop3A_186 = vector.bitcast %parallel_loop3A_185 : vector<16xi32> to vector<16xf32>
        %parallel_loop3A_187 = arith.index_cast %parallel_loop3A_162 : i32 to index
        %parallel_loop3A_188 = arith.constant 16 : index
        %parallel_loop3A_189 = tpu.vector_load %arg13[%parallel_loop3A_187, %parallel_loop3A_188] {strides = array<i32>} : memref<192x128xf32, #tpu.memory_space<vmem>>, vector<16xf32>,
        tpu.vector_store %arg13[%parallel_loop3A_187, %parallel_loop3A_188], %parallel_loop3A_184 {strides = array<i32>} : memref<192x128xf32, #tpu.memory_space<vmem>>, vector<16xf32>,
        %parallel_loop3A_190 = arith.index_cast %parallel_loop3A_162 : i32 to index
        %parallel_loop3A_191 = arith.constant 80 : index
        %parallel_loop3A_192 = tpu.vector_load %arg13[%parallel_loop3A_190, %parallel_loop3A_191] {strides = array<i32>} : memref<192x128xf32, #tpu.memory_space<vmem>>, vector<16xf32>,
        tpu.vector_store %arg13[%parallel_loop3A_190, %parallel_loop3A_191], %parallel_loop3A_186 {strides = array<i32>} : memref<192x128xf32, #tpu.memory_space<vmem>>, vector<16xf32>,
        %parallel_loop3A_193 = arith.index_cast %parallel_loop3A_162 : i32 to index
        %parallel_loop3A_194 = arith.constant 32 : index
        %parallel_loop3A_195 = tpu.vector_load %arg11[%parallel_loop3A_193, %parallel_loop3A_194] {strides = array<i32>} : memref<192x64xi32, #tpu.memory_space<vmem>>, vector<16xi32>,
        %parallel_loop3A_196 = arith.constant 16 : i32
        %parallel_loop3A_197 = vector.broadcast %parallel_loop3A_196 : i32 to vector<16xi32>
        %parallel_loop3A_198 = arith.shli %parallel_loop3A_195, %parallel_loop3A_197 : vector<16xi32>
        %parallel_loop3A_199 = vector.bitcast %parallel_loop3A_198 : vector<16xi32> to vector<16xf32>
        %parallel_loop3A_200 = arith.andi %parallel_loop3A_195, %broadcast_in_dim3A_109 : vector<16xi32>
        %parallel_loop3A_201 = vector.bitcast %parallel_loop3A_200 : vector<16xi32> to vector<16xf32>
        %parallel_loop3A_202 = arith.index_cast %parallel_loop3A_162 : i32 to index
        %parallel_loop3A_203 = arith.constant 32 : index
        %parallel_loop3A_204 = tpu.vector_load %arg13[%parallel_loop3A_202, %parallel_loop3A_203] {strides = array<i32>} : memref<192x128xf32, #tpu.memory_space<vmem>>, vector<16xf32>,
        tpu.vector_store %arg13[%parallel_loop3A_202, %parallel_loop3A_203], %parallel_loop3A_199 {strides = array<i32>} : memref<192x128xf32, #tpu.memory_space<vmem>>, vector<16xf32>,
        %parallel_loop3A_205 = arith.index_cast %parallel_loop3A_162 : i32 to index
        %parallel_loop3A_206 = arith.constant 96 : index
        %parallel_loop3A_207 = tpu.vector_load %arg13[%parallel_loop3A_205, %parallel_loop3A_206] {strides = array<i32>} : memref<192x128xf32, #tpu.memory_space<vmem>>, vector<16xf32>,
        tpu.vector_store %arg13[%parallel_loop3A_205, %parallel_loop3A_206], %parallel_loop3A_201 {strides = array<i32>} : memref<192x128xf32, #tpu.memory_space<vmem>>, vector<16xf32>,
        %parallel_loop3A_208 = arith.index_cast %parallel_loop3A_162 : i32 to index
        %parallel_loop3A_209 = arith.constant 48 : index
        %parallel_loop3A_210 = tpu.vector_load %arg11[%parallel_loop3A_208, %parallel_loop3A_209] {strides = array<i32>} : memref<192x64xi32, #tpu.memory_space<vmem>>, vector<16xi32>,
        %parallel_loop3A_211 = arith.constant 16 : i32
        %parallel_loop3A_212 = vector.broadcast %parallel_loop3A_211 : i32 to vector<16xi32>
        %parallel_loop3A_213 = arith.shli %parallel_loop3A_210, %parallel_loop3A_212 : vector<16xi32>
        %parallel_loop3A_214 = vector.bitcast %parallel_loop3A_213 : vector<16xi32> to vector<16xf32>
        %parallel_loop3A_215 = arith.andi %parallel_loop3A_210, %broadcast_in_dim3A_109 : vector<16xi32>
        %parallel_loop3A_216 = vector.bitcast %parallel_loop3A_215 : vector<16xi32> to vector<16xf32>
        %parallel_loop3A_217 = arith.index_cast %parallel_loop3A_162 : i32 to index
        %parallel_loop3A_218 = arith.constant 48 : index
        %parallel_loop3A_219 = tpu.vector_load %arg13[%parallel_loop3A_217, %parallel_loop3A_218] {strides = array<i32>} : memref<192x128xf32, #tpu.memory_space<vmem>>, vector<16xf32>,
        tpu.vector_store %arg13[%parallel_loop3A_217, %parallel_loop3A_218], %parallel_loop3A_214 {strides = array<i32>} : memref<192x128xf32, #tpu.memory_space<vmem>>, vector<16xf32>,
        %parallel_loop3A_220 = arith.index_cast %parallel_loop3A_162 : i32 to index
        %parallel_loop3A_221 = arith.constant 112 : index
        %parallel_loop3A_222 = tpu.vector_load %arg13[%parallel_loop3A_220, %parallel_loop3A_221] {strides = array<i32>} : memref<192x128xf32, #tpu.memory_space<vmem>>, vector<16xf32>,
        tpu.vector_store %arg13[%parallel_loop3A_220, %parallel_loop3A_221], %parallel_loop3A_216 {strides = array<i32>} : memref<192x128xf32, #tpu.memory_space<vmem>>, vector<16xf32>,
      } {sc.loop_unroll_factor = 4 : i64, sc.parallel_access}
      %dma_start3A_112 = arith.constant 0 : i32
      %dma_start3A_113 = tpu.memref_slice %arg10[%add3A_95, %dma_start3A_112] : memref<72x192xi32, #tpu.memory_space<vmem>> -> memref<1x192xi32, #tpu.memory_space<vmem>>
      %dma_start3A_114 = tpu.memref_squeeze %dma_start3A_113 : memref<1x192xi32, #tpu.memory_space<vmem>> -> memref<192xi32, #tpu.memory_space<vmem>>
      %dma_start3A_115 = arith.constant 0 : i32
      %dma_start3A_116 = arith.constant 0 : i32
      %dma_start3A_117 = tpu.memref_slice %arg16[%dma_start3A_115, %dma_start3A_116] : memref<2176x128xf32, #tpu.memory_space<vmem_shared>> -> memref<2176x128xf32, #tpu.memory_space<vmem_shared>>
      tpu.enqueue_indirect_dma source(%arg13 : memref<192x128xf32, #tpu.memory_space<vmem>>) target(%dma_start3A_117 : memref<2176x128xf32, #tpu.memory_space<vmem_shared>>) offsets(%dma_start3A_114 : memref<192xi32, #tpu.memory_space<vmem>>) semaphore(%arg19 : memref<!tpu.dma_semaphore, #tpu.memory_space<semaphore_mem>>) {add = true}
      %dma_start3A_118 = arith.constant 0 : i32
      %dma_start3A_119 = tpu.memref_slice %arg10[%add3A_95, %dma_start3A_118] : memref<72x192xi32, #tpu.memory_space<vmem>> -> memref<1x192xi32, #tpu.memory_space<vmem>>
      %dma_start3A_120 = tpu.memref_squeeze %dma_start3A_119 : memref<1x192xi32, #tpu.memory_space<vmem>> -> memref<192xi32, #tpu.memory_space<vmem>>
      %dma_start3A_121 = arith.constant 0 : i32
      %dma_start3A_122 = arith.constant 0 : i32
      %dma_start3A_123 = tpu.memref_slice %arg17[%dma_start3A_121, %dma_start3A_122] : memref<2176x16xf32, #tpu.memory_space<vmem_shared>> -> memref<2176x16xf32, #tpu.memory_space<vmem_shared>>
      tpu.enqueue_indirect_dma source(%arg15 : memref<192x16xf32, #tpu.memory_space<vmem>>) target(%dma_start3A_123 : memref<2176x16xf32, #tpu.memory_space<vmem_shared>>) offsets(%dma_start3A_120 : memref<192xi32, #tpu.memory_space<vmem>>) semaphore(%arg21 : memref<!tpu.dma_semaphore, #tpu.memory_space<semaphore_mem>>) {add = true}
      %mul3A_124 = arith.constant 2 : i32
      %mul3A_125 = arith.muli %while3A_91, %mul3A_124 : i32
      %add3A_126 = arith.constant 1 : i32
      %add3A_127 = arith.addi %mul3A_125, %add3A_126 : i32
      %dma_wait3A_128 = arith.constant 0 : i32
      %dma_wait3A_129 = tpu.memref_slice %arg9[%add3A_127, %dma_wait3A_128] : memref<72x192xi32, #tpu.memory_space<vmem>> -> memref<1x192xi32, #tpu.memory_space<vmem>>
      %dma_wait3A_130 = tpu.memref_squeeze %dma_wait3A_129 : memref<1x192xi32, #tpu.memory_space<vmem>> -> memref<192xi32, #tpu.memory_space<vmem>>
      %dma_wait3A_131 = arith.constant 0 : i32
      %dma_wait3A_132 = arith.constant 0 : i32
      %dma_wait3A_133 = tpu.memref_slice %arg2[%dma_wait3A_131, %dma_wait3A_132] : memref<10000x64xi32, #tpu.memory_space<hbm>> -> memref<10000x64xi32, #tpu.memory_space<hbm>>
      tpu.wait_indirect_dma semaphore(%arg18 : memref<!tpu.dma_semaphore, #tpu.memory_space<semaphore_mem>>) src(%dma_wait3A_133 : memref<10000x64xi32, #tpu.memory_space<hbm>>) dst(%arg12 : memref<192x64xi32, #tpu.memory_space<vmem>>)
      %add3A_134 = arith.constant 1 : i32
      %add3A_135 = arith.addi %add3A_127, %add3A_134 : i32
      %lt3A_136 = arith.cmpi slt, %add3A_135, %select_n3A : i32
      %convert_element_type3A_137 = arith.extui %lt3A_136 : i1 to i32
      %cond3A_138 = arith.constant 0 : i32
      %cond3A_139 = arith.cmpi ne, %convert_element_type3A_137, %cond3A_138 : i32
      scf.if %cond3A_139 {
        %add3A_162 = arith.constant 1 : i32
        %add3A_163 = arith.addi %add3A_127, %add3A_162 : i32
        %dma_start3A_164 = arith.constant 0 : i32
        %dma_start3A_165 = tpu.memref_slice %arg9[%add3A_163, %dma_start3A_164] : memref<72x192xi32, #tpu.memory_space<vmem>> -> memref<1x192xi32, #tpu.memory_space<vmem>>
        %dma_start3A_166 = tpu.memref_squeeze %dma_start3A_165 : memref<1x192xi32, #tpu.memory_space<vmem>> -> memref<192xi32, #tpu.memory_space<vmem>>
        %dma_start3A_167 = arith.constant 0 : i32
        %dma_start3A_168 = arith.constant 0 : i32
        %dma_start3A_169 = tpu.memref_slice %arg2[%dma_start3A_167, %dma_start3A_168] : memref<10000x64xi32, #tpu.memory_space<hbm>> -> memref<10000x64xi32, #tpu.memory_space<hbm>>
        tpu.enqueue_indirect_dma source(%dma_start3A_169 : memref<10000x64xi32, #tpu.memory_space<hbm>>) target(%arg11 : memref<192x64xi32, #tpu.memory_space<vmem>>) offsets(%dma_start3A_166 : memref<192xi32, #tpu.memory_space<vmem>>) semaphore(%arg18 : memref<!tpu.dma_semaphore, #tpu.memory_space<semaphore_mem>>)
      } else {
      }
      %ge3A_140 = arith.constant 2 : i32
      %ge3A_141 = arith.cmpi sge, %add3A_127, %ge3A_140 : i32
      %convert_element_type3A_142 = arith.extui %ge3A_141 : i1 to i32
      %cond3A_143 = arith.constant 0 : i32
      %cond3A_144 = arith.cmpi ne, %convert_element_type3A_142, %cond3A_143 : i32
      scf.if %cond3A_144 {
        %sub3A_162 = arith.constant 2 : i32
        %sub3A_163 = arith.subi %add3A_127, %sub3A_162 : i32
        %dma_wait3A_164 = arith.constant 0 : i32
        %dma_wait3A_165 = tpu.memref_slice %arg10[%sub3A_163, %dma_wait3A_164] : memref<72x192xi32, #tpu.memory_space<vmem>> -> memref<1x192xi32, #tpu.memory_space<vmem>>
        %dma_wait3A_166 = tpu.memref_squeeze %dma_wait3A_165 : memref<1x192xi32, #tpu.memory_space<vmem>> -> memref<192xi32, #tpu.memory_space<vmem>>
        %dma_wait3A_167 = arith.constant 0 : i32
        %dma_wait3A_168 = arith.constant 0 : i32
        %dma_wait3A_169 = tpu.memref_slice %arg16[%dma_wait3A_167, %dma_wait3A_168] : memref<2176x128xf32, #tpu.memory_space<vmem_shared>> -> memref<2176x128xf32, #tpu.memory_space<vmem_shared>>
        tpu.wait_indirect_dma semaphore(%arg20 : memref<!tpu.dma_semaphore, #tpu.memory_space<semaphore_mem>>) src(%arg14 : memref<192x128xf32, #tpu.memory_space<vmem>>) dst(%dma_wait3A_169 : memref<2176x128xf32, #tpu.memory_space<vmem_shared>>)
        %dma_wait3A_170 = arith.constant 0 : i32
        %dma_wait3A_171 = tpu.memref_slice %arg10[%sub3A_163, %dma_wait3A_170] : memref<72x192xi32, #tpu.memory_space<vmem>> -> memref<1x192xi32, #tpu.memory_space<vmem>>
        %dma_wait3A_172 = tpu.memref_squeeze %dma_wait3A_171 : memref<1x192xi32, #tpu.memory_space<vmem>> -> memref<192xi32, #tpu.memory_space<vmem>>
        %dma_wait3A_173 = arith.constant 0 : i32
        %dma_wait3A_174 = arith.constant 0 : i32
        %dma_wait3A_175 = tpu.memref_slice %arg17[%dma_wait3A_173, %dma_wait3A_174] : memref<2176x16xf32, #tpu.memory_space<vmem_shared>> -> memref<2176x16xf32, #tpu.memory_space<vmem_shared>>
        tpu.wait_indirect_dma semaphore(%arg22 : memref<!tpu.dma_semaphore, #tpu.memory_space<semaphore_mem>>) src(%arg15 : memref<192x16xf32, #tpu.memory_space<vmem>>) dst(%dma_wait3A_175 : memref<2176x16xf32, #tpu.memory_space<vmem_shared>>)
      } else {
      }
      %broadcast_in_dim3A_145 = arith.constant -65536 : i32
      %broadcast_in_dim3A_146 = vector.broadcast %broadcast_in_dim3A_145 : i32 to vector<16xi32>
      %parallel_loop3A_147 = arith.constant 0 : i32
      %parallel_loop3A_148 = arith.constant 192 : i32
      %parallel_loop3A_149 = arith.constant 1 : i32
      scf.for %parallel_loop3A_162 = %parallel_loop3A_147 to %parallel_loop3A_148 step %parallel_loop3A_149  : i32 {
        %parallel_loop3A_163 = arith.index_cast %parallel_loop3A_162 : i32 to index
        %parallel_loop3A_164 = arith.constant 0 : index
        %parallel_loop3A_165 = tpu.vector_load %arg12[%parallel_loop3A_163, %parallel_loop3A_164] {strides = array<i32>} : memref<192x64xi32, #tpu.memory_space<vmem>>, vector<16xi32>,
        %parallel_loop3A_166 = arith.constant 16 : i32
        %parallel_loop3A_167 = vector.broadcast %parallel_loop3A_166 : i32 to vector<16xi32>
        %parallel_loop3A_168 = arith.shli %parallel_loop3A_165, %parallel_loop3A_167 : vector<16xi32>
        %parallel_loop3A_169 = vector.bitcast %parallel_loop3A_168 : vector<16xi32> to vector<16xf32>
        %parallel_loop3A_170 = arith.andi %parallel_loop3A_165, %broadcast_in_dim3A_146 : vector<16xi32>
        %parallel_loop3A_171 = vector.bitcast %parallel_loop3A_170 : vector<16xi32> to vector<16xf32>
        %parallel_loop3A_172 = arith.index_cast %parallel_loop3A_162 : i32 to index
        %parallel_loop3A_173 = arith.constant 0 : index
        %parallel_loop3A_174 = tpu.vector_load %arg14[%parallel_loop3A_172, %parallel_loop3A_173] {strides = array<i32>} : memref<192x128xf32, #tpu.memory_space<vmem>>, vector<16xf32>,
        tpu.vector_store %arg14[%parallel_loop3A_172, %parallel_loop3A_173], %parallel_loop3A_169 {strides = array<i32>} : memref<192x128xf32, #tpu.memory_space<vmem>>, vector<16xf32>,
        %parallel_loop3A_175 = arith.index_cast %parallel_loop3A_162 : i32 to index
        %parallel_loop3A_176 = arith.constant 64 : index
        %parallel_loop3A_177 = tpu.vector_load %arg14[%parallel_loop3A_175, %parallel_loop3A_176] {strides = array<i32>} : memref<192x128xf32, #tpu.memory_space<vmem>>, vector<16xf32>,
        tpu.vector_store %arg14[%parallel_loop3A_175, %parallel_loop3A_176], %parallel_loop3A_171 {strides = array<i32>} : memref<192x128xf32, #tpu.memory_space<vmem>>, vector<16xf32>,
        %parallel_loop3A_178 = arith.index_cast %parallel_loop3A_162 : i32 to index
        %parallel_loop3A_179 = arith.constant 16 : index
        %parallel_loop3A_180 = tpu.vector_load %arg12[%parallel_loop3A_178, %parallel_loop3A_179] {strides = array<i32>} : memref<192x64xi32, #tpu.memory_space<vmem>>, vector<16xi32>,
        %parallel_loop3A_181 = arith.constant 16 : i32
        %parallel_loop3A_182 = vector.broadcast %parallel_loop3A_181 : i32 to vector<16xi32>
        %parallel_loop3A_183 = arith.shli %parallel_loop3A_180, %parallel_loop3A_182 : vector<16xi32>
        %parallel_loop3A_184 = vector.bitcast %parallel_loop3A_183 : vector<16xi32> to vector<16xf32>
        %parallel_loop3A_185 = arith.andi %parallel_loop3A_180, %broadcast_in_dim3A_146 : vector<16xi32>
        %parallel_loop3A_186 = vector.bitcast %parallel_loop3A_185 : vector<16xi32> to vector<16xf32>
        %parallel_loop3A_187 = arith.index_cast %parallel_loop3A_162 : i32 to index
        %parallel_loop3A_188 = arith.constant 16 : index
        %parallel_loop3A_189 = tpu.vector_load %arg14[%parallel_loop3A_187, %parallel_loop3A_188] {strides = array<i32>} : memref<192x128xf32, #tpu.memory_space<vmem>>, vector<16xf32>,
        tpu.vector_store %arg14[%parallel_loop3A_187, %parallel_loop3A_188], %parallel_loop3A_184 {strides = array<i32>} : memref<192x128xf32, #tpu.memory_space<vmem>>, vector<16xf32>,
        %parallel_loop3A_190 = arith.index_cast %parallel_loop3A_162 : i32 to index
        %parallel_loop3A_191 = arith.constant 80 : index
        %parallel_loop3A_192 = tpu.vector_load %arg14[%parallel_loop3A_190, %parallel_loop3A_191] {strides = array<i32>} : memref<192x128xf32, #tpu.memory_space<vmem>>, vector<16xf32>,
        tpu.vector_store %arg14[%parallel_loop3A_190, %parallel_loop3A_191], %parallel_loop3A_186 {strides = array<i32>} : memref<192x128xf32, #tpu.memory_space<vmem>>, vector<16xf32>,
        %parallel_loop3A_193 = arith.index_cast %parallel_loop3A_162 : i32 to index
        %parallel_loop3A_194 = arith.constant 32 : index
        %parallel_loop3A_195 = tpu.vector_load %arg12[%parallel_loop3A_193, %parallel_loop3A_194] {strides = array<i32>} : memref<192x64xi32, #tpu.memory_space<vmem>>, vector<16xi32>,
        %parallel_loop3A_196 = arith.constant 16 : i32
        %parallel_loop3A_197 = vector.broadcast %parallel_loop3A_196 : i32 to vector<16xi32>
        %parallel_loop3A_198 = arith.shli %parallel_loop3A_195, %parallel_loop3A_197 : vector<16xi32>
        %parallel_loop3A_199 = vector.bitcast %parallel_loop3A_198 : vector<16xi32> to vector<16xf32>
        %parallel_loop3A_200 = arith.andi %parallel_loop3A_195, %broadcast_in_dim3A_146 : vector<16xi32>
        %parallel_loop3A_201 = vector.bitcast %parallel_loop3A_200 : vector<16xi32> to vector<16xf32>
        %parallel_loop3A_202 = arith.index_cast %parallel_loop3A_162 : i32 to index
        %parallel_loop3A_203 = arith.constant 32 : index
        %parallel_loop3A_204 = tpu.vector_load %arg14[%parallel_loop3A_202, %parallel_loop3A_203] {strides = array<i32>} : memref<192x128xf32, #tpu.memory_space<vmem>>, vector<16xf32>,
        tpu.vector_store %arg14[%parallel_loop3A_202, %parallel_loop3A_203], %parallel_loop3A_199 {strides = array<i32>} : memref<192x128xf32, #tpu.memory_space<vmem>>, vector<16xf32>,
        %parallel_loop3A_205 = arith.index_cast %parallel_loop3A_162 : i32 to index
        %parallel_loop3A_206 = arith.constant 96 : index
        %parallel_loop3A_207 = tpu.vector_load %arg14[%parallel_loop3A_205, %parallel_loop3A_206] {strides = array<i32>} : memref<192x128xf32, #tpu.memory_space<vmem>>, vector<16xf32>,
        tpu.vector_store %arg14[%parallel_loop3A_205, %parallel_loop3A_206], %parallel_loop3A_201 {strides = array<i32>} : memref<192x128xf32, #tpu.memory_space<vmem>>, vector<16xf32>,
        %parallel_loop3A_208 = arith.index_cast %parallel_loop3A_162 : i32 to index
        %parallel_loop3A_209 = arith.constant 48 : index
        %parallel_loop3A_210 = tpu.vector_load %arg12[%parallel_loop3A_208, %parallel_loop3A_209] {strides = array<i32>} : memref<192x64xi32, #tpu.memory_space<vmem>>, vector<16xi32>,
        %parallel_loop3A_211 = arith.constant 16 : i32
        %parallel_loop3A_212 = vector.broadcast %parallel_loop3A_211 : i32 to vector<16xi32>
        %parallel_loop3A_213 = arith.shli %parallel_loop3A_210, %parallel_loop3A_212 : vector<16xi32>
        %parallel_loop3A_214 = vector.bitcast %parallel_loop3A_213 : vector<16xi32> to vector<16xf32>
        %parallel_loop3A_215 = arith.andi %parallel_loop3A_210, %broadcast_in_dim3A_146 : vector<16xi32>
        %parallel_loop3A_216 = vector.bitcast %parallel_loop3A_215 : vector<16xi32> to vector<16xf32>
        %parallel_loop3A_217 = arith.index_cast %parallel_loop3A_162 : i32 to index
        %parallel_loop3A_218 = arith.constant 48 : index
        %parallel_loop3A_219 = tpu.vector_load %arg14[%parallel_loop3A_217, %parallel_loop3A_218] {strides = array<i32>} : memref<192x128xf32, #tpu.memory_space<vmem>>, vector<16xf32>,
        tpu.vector_store %arg14[%parallel_loop3A_217, %parallel_loop3A_218], %parallel_loop3A_214 {strides = array<i32>} : memref<192x128xf32, #tpu.memory_space<vmem>>, vector<16xf32>,
        %parallel_loop3A_220 = arith.index_cast %parallel_loop3A_162 : i32 to index
        %parallel_loop3A_221 = arith.constant 112 : index
        %parallel_loop3A_222 = tpu.vector_load %arg14[%parallel_loop3A_220, %parallel_loop3A_221] {strides = array<i32>} : memref<192x128xf32, #tpu.memory_space<vmem>>, vector<16xf32>,
        tpu.vector_store %arg14[%parallel_loop3A_220, %parallel_loop3A_221], %parallel_loop3A_216 {strides = array<i32>} : memref<192x128xf32, #tpu.memory_space<vmem>>, vector<16xf32>,
      } {sc.loop_unroll_factor = 4 : i64, sc.parallel_access}
      %dma_start3A_150 = arith.constant 0 : i32
      %dma_start3A_151 = tpu.memref_slice %arg10[%add3A_127, %dma_start3A_150] : memref<72x192xi32, #tpu.memory_space<vmem>> -> memref<1x192xi32, #tpu.memory_space<vmem>>
      %dma_start3A_152 = tpu.memref_squeeze %dma_start3A_151 : memref<1x192xi32, #tpu.memory_space<vmem>> -> memref<192xi32, #tpu.memory_space<vmem>>
      %dma_start3A_153 = arith.constant 0 : i32
      %dma_start3A_154 = arith.constant 0 : i32
      %dma_start3A_155 = tpu.memref_slice %arg16[%dma_start3A_153, %dma_start3A_154] : memref<2176x128xf32, #tpu.memory_space<vmem_shared>> -> memref<2176x128xf32, #tpu.memory_space<vmem_shared>>
      tpu.enqueue_indirect_dma source(%arg14 : memref<192x128xf32, #tpu.memory_space<vmem>>) target(%dma_start3A_155 : memref<2176x128xf32, #tpu.memory_space<vmem_shared>>) offsets(%dma_start3A_152 : memref<192xi32, #tpu.memory_space<vmem>>) semaphore(%arg20 : memref<!tpu.dma_semaphore, #tpu.memory_space<semaphore_mem>>) {add = true}
      %dma_start3A_156 = arith.constant 0 : i32
      %dma_start3A_157 = tpu.memref_slice %arg10[%add3A_127, %dma_start3A_156] : memref<72x192xi32, #tpu.memory_space<vmem>> -> memref<1x192xi32, #tpu.memory_space<vmem>>
      %dma_start3A_158 = tpu.memref_squeeze %dma_start3A_157 : memref<1x192xi32, #tpu.memory_space<vmem>> -> memref<192xi32, #tpu.memory_space<vmem>>
      %dma_start3A_159 = arith.constant 0 : i32
      %dma_start3A_160 = arith.constant 0 : i32
      %dma_start3A_161 = tpu.memref_slice %arg17[%dma_start3A_159, %dma_start3A_160] : memref<2176x16xf32, #tpu.memory_space<vmem_shared>> -> memref<2176x16xf32, #tpu.memory_space<vmem_shared>>
      tpu.enqueue_indirect_dma source(%arg15 : memref<192x16xf32, #tpu.memory_space<vmem>>) target(%dma_start3A_161 : memref<2176x16xf32, #tpu.memory_space<vmem_shared>>) offsets(%dma_start3A_158 : memref<192xi32, #tpu.memory_space<vmem>>) semaphore(%arg22 : memref<!tpu.dma_semaphore, #tpu.memory_space<semaphore_mem>>) {add = true}
    }
    %while3A_54 = arith.constant 1 : i32
    scf.for %while3A_91 = %while3A_52 to %while3A_48 step %while3A_54  : i32 {
      %mul3A_92 = arith.constant 2 : i32
      %mul3A_93 = arith.muli %while3A_91, %mul3A_92 : i32
      %add3A_94 = arith.constant 0 : i32
      %add3A_95 = arith.addi %mul3A_93, %add3A_94 : i32
      %dma_wait3A_96 = arith.constant 0 : i32
      %dma_wait3A_97 = tpu.memref_slice %arg9[%add3A_95, %dma_wait3A_96] : memref<72x192xi32, #tpu.memory_space<vmem>> -> memref<1x192xi32, #tpu.memory_space<vmem>>
      %dma_wait3A_98 = tpu.memref_squeeze %dma_wait3A_97 : memref<1x192xi32, #tpu.memory_space<vmem>> -> memref<192xi32, #tpu.memory_space<vmem>>
      %dma_wait3A_99 = arith.constant 0 : i32
      %dma_wait3A_100 = arith.constant 0 : i32
      %dma_wait3A_101 = tpu.memref_slice %arg2[%dma_wait3A_99, %dma_wait3A_100] : memref<10000x64xi32, #tpu.memory_space<hbm>> -> memref<10000x64xi32, #tpu.memory_space<hbm>>
      tpu.wait_indirect_dma semaphore(%arg18 : memref<!tpu.dma_semaphore, #tpu.memory_space<semaphore_mem>>) src(%dma_wait3A_101 : memref<10000x64xi32, #tpu.memory_space<hbm>>) dst(%arg11 : memref<192x64xi32, #tpu.memory_space<vmem>>)
      %add3A_102 = arith.constant 1 : i32
      %add3A_103 = arith.addi %add3A_95, %add3A_102 : i32
      %lt3A = arith.cmpi slt, %add3A_103, %select_n3A : i32
      %convert_element_type3A = arith.extui %lt3A : i1 to i32
      %cond3A = arith.constant 0 : i32
      %cond3A_104 = arith.cmpi ne, %convert_element_type3A, %cond3A : i32
      scf.if %cond3A_104 {
        %add3A_162 = arith.constant 1 : i32
        %add3A_163 = arith.addi %add3A_95, %add3A_162 : i32
        %dma_start3A_164 = arith.constant 0 : i32
        %dma_start3A_165 = tpu.memref_slice %arg9[%add3A_163, %dma_start3A_164] : memref<72x192xi32, #tpu.memory_space<vmem>> -> memref<1x192xi32, #tpu.memory_space<vmem>>
        %dma_start3A_166 = tpu.memref_squeeze %dma_start3A_165 : memref<1x192xi32, #tpu.memory_space<vmem>> -> memref<192xi32, #tpu.memory_space<vmem>>
        %dma_start3A_167 = arith.constant 0 : i32
        %dma_start3A_168 = arith.constant 0 : i32
        %dma_start3A_169 = tpu.memref_slice %arg2[%dma_start3A_167, %dma_start3A_168] : memref<10000x64xi32, #tpu.memory_space<hbm>> -> memref<10000x64xi32, #tpu.memory_space<hbm>>
        tpu.enqueue_indirect_dma source(%dma_start3A_169 : memref<10000x64xi32, #tpu.memory_space<hbm>>) target(%arg12 : memref<192x64xi32, #tpu.memory_space<vmem>>) offsets(%dma_start3A_166 : memref<192xi32, #tpu.memory_space<vmem>>) semaphore(%arg18 : memref<!tpu.dma_semaphore, #tpu.memory_space<semaphore_mem>>)
      } else {
      }
      %ge3A = arith.constant 2 : i32
      %ge3A_105 = arith.cmpi sge, %add3A_95, %ge3A : i32
      %convert_element_type3A_106 = arith.extui %ge3A_105 : i1 to i32
      %cond3A_107 = arith.constant 0 : i32
      %cond3A_108 = arith.cmpi ne, %convert_element_type3A_106, %cond3A_107 : i32
      scf.if %cond3A_108 {
        %sub3A_162 = arith.constant 2 : i32
        %sub3A_163 = arith.subi %add3A_95, %sub3A_162 : i32
        %dma_wait3A_164 = arith.constant 0 : i32
        %dma_wait3A_165 = tpu.memref_slice %arg10[%sub3A_163, %dma_wait3A_164] : memref<72x192xi32, #tpu.memory_space<vmem>> -> memref<1x192xi32, #tpu.memory_space<vmem>>
        %dma_wait3A_166 = tpu.memref_squeeze %dma_wait3A_165 : memref<1x192xi32, #tpu.memory_space<vmem>> -> memref<192xi32, #tpu.memory_space<vmem>>
        %dma_wait3A_167 = arith.constant 0 : i32
        %dma_wait3A_168 = arith.constant 0 : i32
        %dma_wait3A_169 = tpu.memref_slice %arg16[%dma_wait3A_167, %dma_wait3A_168] : memref<2176x128xf32, #tpu.memory_space<vmem_shared>> -> memref<2176x128xf32, #tpu.memory_space<vmem_shared>>
        tpu.wait_indirect_dma semaphore(%arg19 : memref<!tpu.dma_semaphore, #tpu.memory_space<semaphore_mem>>) src(%arg13 : memref<192x128xf32, #tpu.memory_space<vmem>>) dst(%dma_wait3A_169 : memref<2176x128xf32, #tpu.memory_space<vmem_shared>>)
        %dma_wait3A_170 = arith.constant 0 : i32
        %dma_wait3A_171 = tpu.memref_slice %arg10[%sub3A_163, %dma_wait3A_170] : memref<72x192xi32, #tpu.memory_space<vmem>> -> memref<1x192xi32, #tpu.memory_space<vmem>>
        %dma_wait3A_172 = tpu.memref_squeeze %dma_wait3A_171 : memref<1x192xi32, #tpu.memory_space<vmem>> -> memref<192xi32, #tpu.memory_space<vmem>>
        %dma_wait3A_173 = arith.constant 0 : i32
        %dma_wait3A_174 = arith.constant 0 : i32
        %dma_wait3A_175 = tpu.memref_slice %arg17[%dma_wait3A_173, %dma_wait3A_174] : memref<2176x16xf32, #tpu.memory_space<vmem_shared>> -> memref<2176x16xf32, #tpu.memory_space<vmem_shared>>
        tpu.wait_indirect_dma semaphore(%arg21 : memref<!tpu.dma_semaphore, #tpu.memory_space<semaphore_mem>>) src(%arg15 : memref<192x16xf32, #tpu.memory_space<vmem>>) dst(%dma_wait3A_175 : memref<2176x16xf32, #tpu.memory_space<vmem_shared>>)
      } else {
      }
      %broadcast_in_dim3A = arith.constant -65536 : i32
      %broadcast_in_dim3A_109 = vector.broadcast %broadcast_in_dim3A : i32 to vector<16xi32>
      %parallel_loop3A = arith.constant 0 : i32
      %parallel_loop3A_110 = arith.constant 192 : i32
      %parallel_loop3A_111 = arith.constant 1 : i32
      scf.for %parallel_loop3A_162 = %parallel_loop3A to %parallel_loop3A_110 step %parallel_loop3A_111  : i32 {
        %parallel_loop3A_163 = arith.index_cast %parallel_loop3A_162 : i32 to index
        %parallel_loop3A_164 = arith.constant 0 : index
        %parallel_loop3A_165 = tpu.vector_load %arg11[%parallel_loop3A_163, %parallel_loop3A_164] {strides = array<i32>} : memref<192x64xi32, #tpu.memory_space<vmem>>, vector<16xi32>,
        %parallel_loop3A_166 = arith.constant 16 : i32
        %parallel_loop3A_167 = vector.broadcast %parallel_loop3A_166 : i32 to vector<16xi32>
        %parallel_loop3A_168 = arith.shli %parallel_loop3A_165, %parallel_loop3A_167 : vector<16xi32>
        %parallel_loop3A_169 = vector.bitcast %parallel_loop3A_168 : vector<16xi32> to vector<16xf32>
        %parallel_loop3A_170 = arith.andi %parallel_loop3A_165, %broadcast_in_dim3A_109 : vector<16xi32>
        %parallel_loop3A_171 = vector.bitcast %parallel_loop3A_170 : vector<16xi32> to vector<16xf32>
        %parallel_loop3A_172 = arith.index_cast %parallel_loop3A_162 : i32 to index
        %parallel_loop3A_173 = arith.constant 0 : index
        %parallel_loop3A_174 = tpu.vector_load %arg13[%parallel_loop3A_172, %parallel_loop3A_173] {strides = array<i32>} : memref<192x128xf32, #tpu.memory_space<vmem>>, vector<16xf32>,
        tpu.vector_store %arg13[%parallel_loop3A_172, %parallel_loop3A_173], %parallel_loop3A_169 {strides = array<i32>} : memref<192x128xf32, #tpu.memory_space<vmem>>, vector<16xf32>,
        %parallel_loop3A_175 = arith.index_cast %parallel_loop3A_162 : i32 to index
        %parallel_loop3A_176 = arith.constant 64 : index
        %parallel_loop3A_177 = tpu.vector_load %arg13[%parallel_loop3A_175, %parallel_loop3A_176] {strides = array<i32>} : memref<192x128xf32, #tpu.memory_space<vmem>>, vector<16xf32>,
        tpu.vector_store %arg13[%parallel_loop3A_175, %parallel_loop3A_176], %parallel_loop3A_171 {strides = array<i32>} : memref<192x128xf32, #tpu.memory_space<vmem>>, vector<16xf32>,
        %parallel_loop3A_178 = arith.index_cast %parallel_loop3A_162 : i32 to index
        %parallel_loop3A_179 = arith.constant 16 : index
        %parallel_loop3A_180 = tpu.vector_load %arg11[%parallel_loop3A_178, %parallel_loop3A_179] {strides = array<i32>} : memref<192x64xi32, #tpu.memory_space<vmem>>, vector<16xi32>,
        %parallel_loop3A_181 = arith.constant 16 : i32
        %parallel_loop3A_182 = vector.broadcast %parallel_loop3A_181 : i32 to vector<16xi32>
        %parallel_loop3A_183 = arith.shli %parallel_loop3A_180, %parallel_loop3A_182 : vector<16xi32>
        %parallel_loop3A_184 = vector.bitcast %parallel_loop3A_183 : vector<16xi32> to vector<16xf32>
        %parallel_loop3A_185 = arith.andi %parallel_loop3A_180, %broadcast_in_dim3A_109 : vector<16xi32>
        %parallel_loop3A_186 = vector.bitcast %parallel_loop3A_185 : vector<16xi32> to vector<16xf32>
        %parallel_loop3A_187 = arith.index_cast %parallel_loop3A_162 : i32 to index
        %parallel_loop3A_188 = arith.constant 16 : index
        %parallel_loop3A_189 = tpu.vector_load %arg13[%parallel_loop3A_187, %parallel_loop3A_188] {strides = array<i32>} : memref<192x128xf32, #tpu.memory_space<vmem>>, vector<16xf32>,
        tpu.vector_store %arg13[%parallel_loop3A_187, %parallel_loop3A_188], %parallel_loop3A_184 {strides = array<i32>} : memref<192x128xf32, #tpu.memory_space<vmem>>, vector<16xf32>,
        %parallel_loop3A_190 = arith.index_cast %parallel_loop3A_162 : i32 to index
        %parallel_loop3A_191 = arith.constant 80 : index
        %parallel_loop3A_192 = tpu.vector_load %arg13[%parallel_loop3A_190, %parallel_loop3A_191] {strides = array<i32>} : memref<192x128xf32, #tpu.memory_space<vmem>>, vector<16xf32>,
        tpu.vector_store %arg13[%parallel_loop3A_190, %parallel_loop3A_191], %parallel_loop3A_186 {strides = array<i32>} : memref<192x128xf32, #tpu.memory_space<vmem>>, vector<16xf32>,
        %parallel_loop3A_193 = arith.index_cast %parallel_loop3A_162 : i32 to index
        %parallel_loop3A_194 = arith.constant 32 : index
        %parallel_loop3A_195 = tpu.vector_load %arg11[%parallel_loop3A_193, %parallel_loop3A_194] {strides = array<i32>} : memref<192x64xi32, #tpu.memory_space<vmem>>, vector<16xi32>,
        %parallel_loop3A_196 = arith.constant 16 : i32
        %parallel_loop3A_197 = vector.broadcast %parallel_loop3A_196 : i32 to vector<16xi32>
        %parallel_loop3A_198 = arith.shli %parallel_loop3A_195, %parallel_loop3A_197 : vector<16xi32>
        %parallel_loop3A_199 = vector.bitcast %parallel_loop3A_198 : vector<16xi32> to vector<16xf32>
        %parallel_loop3A_200 = arith.andi %parallel_loop3A_195, %broadcast_in_dim3A_109 : vector<16xi32>
        %parallel_loop3A_201 = vector.bitcast %parallel_loop3A_200 : vector<16xi32> to vector<16xf32>
        %parallel_loop3A_202 = arith.index_cast %parallel_loop3A_162 : i32 to index
        %parallel_loop3A_203 = arith.constant 32 : index
        %parallel_loop3A_204 = tpu.vector_load %arg13[%parallel_loop3A_202, %parallel_loop3A_203] {strides = array<i32>} : memref<192x128xf32, #tpu.memory_space<vmem>>, vector<16xf32>,
        tpu.vector_store %arg13[%parallel_loop3A_202, %parallel_loop3A_203], %parallel_loop3A_199 {strides = array<i32>} : memref<192x128xf32, #tpu.memory_space<vmem>>, vector<16xf32>,
        %parallel_loop3A_205 = arith.index_cast %parallel_loop3A_162 : i32 to index
        %parallel_loop3A_206 = arith.constant 96 : index
        %parallel_loop3A_207 = tpu.vector_load %arg13[%parallel_loop3A_205, %parallel_loop3A_206] {strides = array<i32>} : memref<192x128xf32, #tpu.memory_space<vmem>>, vector<16xf32>,
        tpu.vector_store %arg13[%parallel_loop3A_205, %parallel_loop3A_206], %parallel_loop3A_201 {strides = array<i32>} : memref<192x128xf32, #tpu.memory_space<vmem>>, vector<16xf32>,
        %parallel_loop3A_208 = arith.index_cast %parallel_loop3A_162 : i32 to index
        %parallel_loop3A_209 = arith.constant 48 : index
        %parallel_loop3A_210 = tpu.vector_load %arg11[%parallel_loop3A_208, %parallel_loop3A_209] {strides = array<i32>} : memref<192x64xi32, #tpu.memory_space<vmem>>, vector<16xi32>,
        %parallel_loop3A_211 = arith.constant 16 : i32
        %parallel_loop3A_212 = vector.broadcast %parallel_loop3A_211 : i32 to vector<16xi32>
        %parallel_loop3A_213 = arith.shli %parallel_loop3A_210, %parallel_loop3A_212 : vector<16xi32>
        %parallel_loop3A_214 = vector.bitcast %parallel_loop3A_213 : vector<16xi32> to vector<16xf32>
        %parallel_loop3A_215 = arith.andi %parallel_loop3A_210, %broadcast_in_dim3A_109 : vector<16xi32>
        %parallel_loop3A_216 = vector.bitcast %parallel_loop3A_215 : vector<16xi32> to vector<16xf32>
        %parallel_loop3A_217 = arith.index_cast %parallel_loop3A_162 : i32 to index
        %parallel_loop3A_218 = arith.constant 48 : index
        %parallel_loop3A_219 = tpu.vector_load %arg13[%parallel_loop3A_217, %parallel_loop3A_218] {strides = array<i32>} : memref<192x128xf32, #tpu.memory_space<vmem>>, vector<16xf32>,
        tpu.vector_store %arg13[%parallel_loop3A_217, %parallel_loop3A_218], %parallel_loop3A_214 {strides = array<i32>} : memref<192x128xf32, #tpu.memory_space<vmem>>, vector<16xf32>,
        %parallel_loop3A_220 = arith.index_cast %parallel_loop3A_162 : i32 to index
        %parallel_loop3A_221 = arith.constant 112 : index
        %parallel_loop3A_222 = tpu.vector_load %arg13[%parallel_loop3A_220, %parallel_loop3A_221] {strides = array<i32>} : memref<192x128xf32, #tpu.memory_space<vmem>>, vector<16xf32>,
        tpu.vector_store %arg13[%parallel_loop3A_220, %parallel_loop3A_221], %parallel_loop3A_216 {strides = array<i32>} : memref<192x128xf32, #tpu.memory_space<vmem>>, vector<16xf32>,
      } {sc.loop_unroll_factor = 4 : i64, sc.parallel_access}
      %dma_start3A_112 = arith.constant 0 : i32
      %dma_start3A_113 = tpu.memref_slice %arg10[%add3A_95, %dma_start3A_112] : memref<72x192xi32, #tpu.memory_space<vmem>> -> memref<1x192xi32, #tpu.memory_space<vmem>>
      %dma_start3A_114 = tpu.memref_squeeze %dma_start3A_113 : memref<1x192xi32, #tpu.memory_space<vmem>> -> memref<192xi32, #tpu.memory_space<vmem>>
      %dma_start3A_115 = arith.constant 0 : i32
      %dma_start3A_116 = arith.constant 0 : i32
      %dma_start3A_117 = tpu.memref_slice %arg16[%dma_start3A_115, %dma_start3A_116] : memref<2176x128xf32, #tpu.memory_space<vmem_shared>> -> memref<2176x128xf32, #tpu.memory_space<vmem_shared>>
      tpu.enqueue_indirect_dma source(%arg13 : memref<192x128xf32, #tpu.memory_space<vmem>>) target(%dma_start3A_117 : memref<2176x128xf32, #tpu.memory_space<vmem_shared>>) offsets(%dma_start3A_114 : memref<192xi32, #tpu.memory_space<vmem>>) semaphore(%arg19 : memref<!tpu.dma_semaphore, #tpu.memory_space<semaphore_mem>>) {add = true}
      %dma_start3A_118 = arith.constant 0 : i32
      %dma_start3A_119 = tpu.memref_slice %arg10[%add3A_95, %dma_start3A_118] : memref<72x192xi32, #tpu.memory_space<vmem>> -> memref<1x192xi32, #tpu.memory_space<vmem>>
      %dma_start3A_120 = tpu.memref_squeeze %dma_start3A_119 : memref<1x192xi32, #tpu.memory_space<vmem>> -> memref<192xi32, #tpu.memory_space<vmem>>
      %dma_start3A_121 = arith.constant 0 : i32
      %dma_start3A_122 = arith.constant 0 : i32
      %dma_start3A_123 = tpu.memref_slice %arg17[%dma_start3A_121, %dma_start3A_122] : memref<2176x16xf32, #tpu.memory_space<vmem_shared>> -> memref<2176x16xf32, #tpu.memory_space<vmem_shared>>
      tpu.enqueue_indirect_dma source(%arg15 : memref<192x16xf32, #tpu.memory_space<vmem>>) target(%dma_start3A_123 : memref<2176x16xf32, #tpu.memory_space<vmem_shared>>) offsets(%dma_start3A_120 : memref<192xi32, #tpu.memory_space<vmem>>) semaphore(%arg21 : memref<!tpu.dma_semaphore, #tpu.memory_space<semaphore_mem>>) {add = true}
      %mul3A_124 = arith.constant 2 : i32
      %mul3A_125 = arith.muli %while3A_91, %mul3A_124 : i32
      %add3A_126 = arith.constant 1 : i32
      %add3A_127 = arith.addi %mul3A_125, %add3A_126 : i32
      %dma_wait3A_128 = arith.constant 0 : i32
      %dma_wait3A_129 = tpu.memref_slice %arg9[%add3A_127, %dma_wait3A_128] : memref<72x192xi32, #tpu.memory_space<vmem>> -> memref<1x192xi32, #tpu.memory_space<vmem>>
      %dma_wait3A_130 = tpu.memref_squeeze %dma_wait3A_129 : memref<1x192xi32, #tpu.memory_space<vmem>> -> memref<192xi32, #tpu.memory_space<vmem>>
      %dma_wait3A_131 = arith.constant 0 : i32
      %dma_wait3A_132 = arith.constant 0 : i32
      %dma_wait3A_133 = tpu.memref_slice %arg2[%dma_wait3A_131, %dma_wait3A_132] : memref<10000x64xi32, #tpu.memory_space<hbm>> -> memref<10000x64xi32, #tpu.memory_space<hbm>>
      tpu.wait_indirect_dma semaphore(%arg18 : memref<!tpu.dma_semaphore, #tpu.memory_space<semaphore_mem>>) src(%dma_wait3A_133 : memref<10000x64xi32, #tpu.memory_space<hbm>>) dst(%arg12 : memref<192x64xi32, #tpu.memory_space<vmem>>)
      %add3A_134 = arith.constant 1 : i32
      %add3A_135 = arith.addi %add3A_127, %add3A_134 : i32
      %lt3A_136 = arith.cmpi slt, %add3A_135, %select_n3A : i32
      %convert_element_type3A_137 = arith.extui %lt3A_136 : i1 to i32
      %cond3A_138 = arith.constant 0 : i32
      %cond3A_139 = arith.cmpi ne, %convert_element_type3A_137, %cond3A_138 : i32
      scf.if %cond3A_139 {
        %add3A_162 = arith.constant 1 : i32
        %add3A_163 = arith.addi %add3A_127, %add3A_162 : i32
        %dma_start3A_164 = arith.constant 0 : i32
        %dma_start3A_165 = tpu.memref_slice %arg9[%add3A_163, %dma_start3A_164] : memref<72x192xi32, #tpu.memory_space<vmem>> -> memref<1x192xi32, #tpu.memory_space<vmem>>
        %dma_start3A_166 = tpu.memref_squeeze %dma_start3A_165 : memref<1x192xi32, #tpu.memory_space<vmem>> -> memref<192xi32, #tpu.memory_space<vmem>>
        %dma_start3A_167 = arith.constant 0 : i32
        %dma_start3A_168 = arith.constant 0 : i32
        %dma_start3A_169 = tpu.memref_slice %arg2[%dma_start3A_167, %dma_start3A_168] : memref<10000x64xi32, #tpu.memory_space<hbm>> -> memref<10000x64xi32, #tpu.memory_space<hbm>>
        tpu.enqueue_indirect_dma source(%dma_start3A_169 : memref<10000x64xi32, #tpu.memory_space<hbm>>) target(%arg11 : memref<192x64xi32, #tpu.memory_space<vmem>>) offsets(%dma_start3A_166 : memref<192xi32, #tpu.memory_space<vmem>>) semaphore(%arg18 : memref<!tpu.dma_semaphore, #tpu.memory_space<semaphore_mem>>)
      } else {
      }
      %ge3A_140 = arith.constant 2 : i32
      %ge3A_141 = arith.cmpi sge, %add3A_127, %ge3A_140 : i32
      %convert_element_type3A_142 = arith.extui %ge3A_141 : i1 to i32
      %cond3A_143 = arith.constant 0 : i32
      %cond3A_144 = arith.cmpi ne, %convert_element_type3A_142, %cond3A_143 : i32
      scf.if %cond3A_144 {
        %sub3A_162 = arith.constant 2 : i32
        %sub3A_163 = arith.subi %add3A_127, %sub3A_162 : i32
        %dma_wait3A_164 = arith.constant 0 : i32
        %dma_wait3A_165 = tpu.memref_slice %arg10[%sub3A_163, %dma_wait3A_164] : memref<72x192xi32, #tpu.memory_space<vmem>> -> memref<1x192xi32, #tpu.memory_space<vmem>>
        %dma_wait3A_166 = tpu.memref_squeeze %dma_wait3A_165 : memref<1x192xi32, #tpu.memory_space<vmem>> -> memref<192xi32, #tpu.memory_space<vmem>>
        %dma_wait3A_167 = arith.constant 0 : i32
        %dma_wait3A_168 = arith.constant 0 : i32
        %dma_wait3A_169 = tpu.memref_slice %arg16[%dma_wait3A_167, %dma_wait3A_168] : memref<2176x128xf32, #tpu.memory_space<vmem_shared>> -> memref<2176x128xf32, #tpu.memory_space<vmem_shared>>
        tpu.wait_indirect_dma semaphore(%arg20 : memref<!tpu.dma_semaphore, #tpu.memory_space<semaphore_mem>>) src(%arg14 : memref<192x128xf32, #tpu.memory_space<vmem>>) dst(%dma_wait3A_169 : memref<2176x128xf32, #tpu.memory_space<vmem_shared>>)
        %dma_wait3A_170 = arith.constant 0 : i32
        %dma_wait3A_171 = tpu.memref_slice %arg10[%sub3A_163, %dma_wait3A_170] : memref<72x192xi32, #tpu.memory_space<vmem>> -> memref<1x192xi32, #tpu.memory_space<vmem>>
        %dma_wait3A_172 = tpu.memref_squeeze %dma_wait3A_171 : memref<1x192xi32, #tpu.memory_space<vmem>> -> memref<192xi32, #tpu.memory_space<vmem>>
        %dma_wait3A_173 = arith.constant 0 : i32
        %dma_wait3A_174 = arith.constant 0 : i32
        %dma_wait3A_175 = tpu.memref_slice %arg17[%dma_wait3A_173, %dma_wait3A_174] : memref<2176x16xf32, #tpu.memory_space<vmem_shared>> -> memref<2176x16xf32, #tpu.memory_space<vmem_shared>>
        tpu.wait_indirect_dma semaphore(%arg22 : memref<!tpu.dma_semaphore, #tpu.memory_space<semaphore_mem>>) src(%arg15 : memref<192x16xf32, #tpu.memory_space<vmem>>) dst(%dma_wait3A_175 : memref<2176x16xf32, #tpu.memory_space<vmem_shared>>)
      } else {
      }
      %broadcast_in_dim3A_145 = arith.constant -65536 : i32
      %broadcast_in_dim3A_146 = vector.broadcast %broadcast_in_dim3A_145 : i32 to vector<16xi32>
      %parallel_loop3A_147 = arith.constant 0 : i32
      %parallel_loop3A_148 = arith.constant 192 : i32
      %parallel_loop3A_149 = arith.constant 1 : i32
      scf.for %parallel_loop3A_162 = %parallel_loop3A_147 to %parallel_loop3A_148 step %parallel_loop3A_149  : i32 {
        %parallel_loop3A_163 = arith.index_cast %parallel_loop3A_162 : i32 to index
        %parallel_loop3A_164 = arith.constant 0 : index
        %parallel_loop3A_165 = tpu.vector_load %arg12[%parallel_loop3A_163, %parallel_loop3A_164] {strides = array<i32>} : memref<192x64xi32, #tpu.memory_space<vmem>>, vector<16xi32>,
        %parallel_loop3A_166 = arith.constant 16 : i32
        %parallel_loop3A_167 = vector.broadcast %parallel_loop3A_166 : i32 to vector<16xi32>
        %parallel_loop3A_168 = arith.shli %parallel_loop3A_165, %parallel_loop3A_167 : vector<16xi32>
        %parallel_loop3A_169 = vector.bitcast %parallel_loop3A_168 : vector<16xi32> to vector<16xf32>
        %parallel_loop3A_170 = arith.andi %parallel_loop3A_165, %broadcast_in_dim3A_146 : vector<16xi32>
        %parallel_loop3A_171 = vector.bitcast %parallel_loop3A_170 : vector<16xi32> to vector<16xf32>
        %parallel_loop3A_172 = arith.index_cast %parallel_loop3A_162 : i32 to index
        %parallel_loop3A_173 = arith.constant 0 : index
        %parallel_loop3A_174 = tpu.vector_load %arg14[%parallel_loop3A_172, %parallel_loop3A_173] {strides = array<i32>} : memref<192x128xf32, #tpu.memory_space<vmem>>, vector<16xf32>,
        tpu.vector_store %arg14[%parallel_loop3A_172, %parallel_loop3A_173], %parallel_loop3A_169 {strides = array<i32>} : memref<192x128xf32, #tpu.memory_space<vmem>>, vector<16xf32>,
        %parallel_loop3A_175 = arith.index_cast %parallel_loop3A_162 : i32 to index
        %parallel_loop3A_176 = arith.constant 64 : index
        %parallel_loop3A_177 = tpu.vector_load %arg14[%parallel_loop3A_175, %parallel_loop3A_176] {strides = array<i32>} : memref<192x128xf32, #tpu.memory_space<vmem>>, vector<16xf32>,
        tpu.vector_store %arg14[%parallel_loop3A_175, %parallel_loop3A_176], %parallel_loop3A_171 {strides = array<i32>} : memref<192x128xf32, #tpu.memory_space<vmem>>, vector<16xf32>,
        %parallel_loop3A_178 = arith.index_cast %parallel_loop3A_162 : i32 to index
        %parallel_loop3A_179 = arith.constant 16 : index
        %parallel_loop3A_180 = tpu.vector_load %arg12[%parallel_loop3A_178, %parallel_loop3A_179] {strides = array<i32>} : memref<192x64xi32, #tpu.memory_space<vmem>>, vector<16xi32>,
        %parallel_loop3A_181 = arith.constant 16 : i32
        %parallel_loop3A_182 = vector.broadcast %parallel_loop3A_181 : i32 to vector<16xi32>
        %parallel_loop3A_183 = arith.shli %parallel_loop3A_180, %parallel_loop3A_182 : vector<16xi32>
        %parallel_loop3A_184 = vector.bitcast %parallel_loop3A_183 : vector<16xi32> to vector<16xf32>
        %parallel_loop3A_185 = arith.andi %parallel_loop3A_180, %broadcast_in_dim3A_146 : vector<16xi32>
        %parallel_loop3A_186 = vector.bitcast %parallel_loop3A_185 : vector<16xi32> to vector<16xf32>
        %parallel_loop3A_187 = arith.index_cast %parallel_loop3A_162 : i32 to index
        %parallel_loop3A_188 = arith.constant 16 : index
        %parallel_loop3A_189 = tpu.vector_load %arg14[%parallel_loop3A_187, %parallel_loop3A_188] {strides = array<i32>} : memref<192x128xf32, #tpu.memory_space<vmem>>, vector<16xf32>,
        tpu.vector_store %arg14[%parallel_loop3A_187, %parallel_loop3A_188], %parallel_loop3A_184 {strides = array<i32>} : memref<192x128xf32, #tpu.memory_space<vmem>>, vector<16xf32>,
        %parallel_loop3A_190 = arith.index_cast %parallel_loop3A_162 : i32 to index
        %parallel_loop3A_191 = arith.constant 80 : index
        %parallel_loop3A_192 = tpu.vector_load %arg14[%parallel_loop3A_190, %parallel_loop3A_191] {strides = array<i32>} : memref<192x128xf32, #tpu.memory_space<vmem>>, vector<16xf32>,
        tpu.vector_store %arg14[%parallel_loop3A_190, %parallel_loop3A_191], %parallel_loop3A_186 {strides = array<i32>} : memref<192x128xf32, #tpu.memory_space<vmem>>, vector<16xf32>,
        %parallel_loop3A_193 = arith.index_cast %parallel_loop3A_162 : i32 to index
        %parallel_loop3A_194 = arith.constant 32 : index
        %parallel_loop3A_195 = tpu.vector_load %arg12[%parallel_loop3A_193, %parallel_loop3A_194] {strides = array<i32>} : memref<192x64xi32, #tpu.memory_space<vmem>>, vector<16xi32>,
        %parallel_loop3A_196 = arith.constant 16 : i32
        %parallel_loop3A_197 = vector.broadcast %parallel_loop3A_196 : i32 to vector<16xi32>
        %parallel_loop3A_198 = arith.shli %parallel_loop3A_195, %parallel_loop3A_197 : vector<16xi32>
        %parallel_loop3A_199 = vector.bitcast %parallel_loop3A_198 : vector<16xi32> to vector<16xf32>
        %parallel_loop3A_200 = arith.andi %parallel_loop3A_195, %broadcast_in_dim3A_146 : vector<16xi32>
        %parallel_loop3A_201 = vector.bitcast %parallel_loop3A_200 : vector<16xi32> to vector<16xf32>
        %parallel_loop3A_202 = arith.index_cast %parallel_loop3A_162 : i32 to index
        %parallel_loop3A_203 = arith.constant 32 : index
        %parallel_loop3A_204 = tpu.vector_load %arg14[%parallel_loop3A_202, %parallel_loop3A_203] {strides = array<i32>} : memref<192x128xf32, #tpu.memory_space<vmem>>, vector<16xf32>,
        tpu.vector_store %arg14[%parallel_loop3A_202, %parallel_loop3A_203], %parallel_loop3A_199 {strides = array<i32>} : memref<192x128xf32, #tpu.memory_space<vmem>>, vector<16xf32>,
        %parallel_loop3A_205 = arith.index_cast %parallel_loop3A_162 : i32 to index
        %parallel_loop3A_206 = arith.constant 96 : index
        %parallel_loop3A_207 = tpu.vector_load %arg14[%parallel_loop3A_205, %parallel_loop3A_206] {strides = array<i32>} : memref<192x128xf32, #tpu.memory_space<vmem>>, vector<16xf32>,
        tpu.vector_store %arg14[%parallel_loop3A_205, %parallel_loop3A_206], %parallel_loop3A_201 {strides = array<i32>} : memref<192x128xf32, #tpu.memory_space<vmem>>, vector<16xf32>,
        %parallel_loop3A_208 = arith.index_cast %parallel_loop3A_162 : i32 to index
        %parallel_loop3A_209 = arith.constant 48 : index
        %parallel_loop3A_210 = tpu.vector_load %arg12[%parallel_loop3A_208, %parallel_loop3A_209] {strides = array<i32>} : memref<192x64xi32, #tpu.memory_space<vmem>>, vector<16xi32>,
        %parallel_loop3A_211 = arith.constant 16 : i32
        %parallel_loop3A_212 = vector.broadcast %parallel_loop3A_211 : i32 to vector<16xi32>
        %parallel_loop3A_213 = arith.shli %parallel_loop3A_210, %parallel_loop3A_212 : vector<16xi32>
        %parallel_loop3A_214 = vector.bitcast %parallel_loop3A_213 : vector<16xi32> to vector<16xf32>
        %parallel_loop3A_215 = arith.andi %parallel_loop3A_210, %broadcast_in_dim3A_146 : vector<16xi32>
        %parallel_loop3A_216 = vector.bitcast %parallel_loop3A_215 : vector<16xi32> to vector<16xf32>
        %parallel_loop3A_217 = arith.index_cast %parallel_loop3A_162 : i32 to index
        %parallel_loop3A_218 = arith.constant 48 : index
        %parallel_loop3A_219 = tpu.vector_load %arg14[%parallel_loop3A_217, %parallel_loop3A_218] {strides = array<i32>} : memref<192x128xf32, #tpu.memory_space<vmem>>, vector<16xf32>,
        tpu.vector_store %arg14[%parallel_loop3A_217, %parallel_loop3A_218], %parallel_loop3A_214 {strides = array<i32>} : memref<192x128xf32, #tpu.memory_space<vmem>>, vector<16xf32>,
        %parallel_loop3A_220 = arith.index_cast %parallel_loop3A_162 : i32 to index
        %parallel_loop3A_221 = arith.constant 112 : index
        %parallel_loop3A_222 = tpu.vector_load %arg14[%parallel_loop3A_220, %parallel_loop3A_221] {strides = array<i32>} : memref<192x128xf32, #tpu.memory_space<vmem>>, vector<16xf32>,
        tpu.vector_store %arg14[%parallel_loop3A_220, %parallel_loop3A_221], %parallel_loop3A_216 {strides = array<i32>} : memref<192x128xf32, #tpu.memory_space<vmem>>, vector<16xf32>,
      } {sc.loop_unroll_factor = 4 : i64, sc.parallel_access}
      %dma_start3A_150 = arith.constant 0 : i32
      %dma_start3A_151 = tpu.memref_slice %arg10[%add3A_127, %dma_start3A_150] : memref<72x192xi32, #tpu.memory_space<vmem>> -> memref<1x192xi32, #tpu.memory_space<vmem>>
      %dma_start3A_152 = tpu.memref_squeeze %dma_start3A_151 : memref<1x192xi32, #tpu.memory_space<vmem>> -> memref<192xi32, #tpu.memory_space<vmem>>
      %dma_start3A_153 = arith.constant 0 : i32
      %dma_start3A_154 = arith.constant 0 : i32
      %dma_start3A_155 = tpu.memref_slice %arg16[%dma_start3A_153, %dma_start3A_154] : memref<2176x128xf32, #tpu.memory_space<vmem_shared>> -> memref<2176x128xf32, #tpu.memory_space<vmem_shared>>
      tpu.enqueue_indirect_dma source(%arg14 : memref<192x128xf32, #tpu.memory_space<vmem>>) target(%dma_start3A_155 : memref<2176x128xf32, #tpu.memory_space<vmem_shared>>) offsets(%dma_start3A_152 : memref<192xi32, #tpu.memory_space<vmem>>) semaphore(%arg20 : memref<!tpu.dma_semaphore, #tpu.memory_space<semaphore_mem>>) {add = true}
      %dma_start3A_156 = arith.constant 0 : i32
      %dma_start3A_157 = tpu.memref_slice %arg10[%add3A_127, %dma_start3A_156] : memref<72x192xi32, #tpu.memory_space<vmem>> -> memref<1x192xi32, #tpu.memory_space<vmem>>
      %dma_start3A_158 = tpu.memref_squeeze %dma_start3A_157 : memref<1x192xi32, #tpu.memory_space<vmem>> -> memref<192xi32, #tpu.memory_space<vmem>>
      %dma_start3A_159 = arith.constant 0 : i32
      %dma_start3A_160 = arith.constant 0 : i32
      %dma_start3A_161 = tpu.memref_slice %arg17[%dma_start3A_159, %dma_start3A_160] : memref<2176x16xf32, #tpu.memory_space<vmem_shared>> -> memref<2176x16xf32, #tpu.memory_space<vmem_shared>>
      tpu.enqueue_indirect_dma source(%arg15 : memref<192x16xf32, #tpu.memory_space<vmem>>) target(%dma_start3A_161 : memref<2176x16xf32, #tpu.memory_space<vmem_shared>>) offsets(%dma_start3A_158 : memref<192xi32, #tpu.memory_space<vmem>>) semaphore(%arg22 : memref<!tpu.dma_semaphore, #tpu.memory_space<semaphore_mem>>) {add = true}
    }
    %sub3A_55 = arith.constant 2 : i32
    %sub3A_56 = arith.subi %select_n3A, %sub3A_55 : i32
    %dma_wait3A = arith.constant 0 : i32
    %dma_wait3A_57 = tpu.memref_slice %arg10[%sub3A_56, %dma_wait3A] : memref<72x192xi32, #tpu.memory_space<vmem>> -> memref<1x192xi32, #tpu.memory_space<vmem>>
    %dma_wait3A_58 = tpu.memref_squeeze %dma_wait3A_57 : memref<1x192xi32, #tpu.memory_space<vmem>> -> memref<192xi32, #tpu.memory_space<vmem>>
    %dma_wait3A_59 = arith.constant 0 : i32
    %dma_wait3A_60 = arith.constant 0 : i32
    %dma_wait3A_61 = tpu.memref_slice %arg16[%dma_wait3A_59, %dma_wait3A_60] : memref<2176x128xf32, #tpu.memory_space<vmem_shared>> -> memref<2176x128xf32, #tpu.memory_space<vmem_shared>>
    tpu.wait_indirect_dma semaphore(%arg19 : memref<!tpu.dma_semaphore, #tpu.memory_space<semaphore_mem>>) src(%arg13 : memref<192x128xf32, #tpu.memory_space<vmem>>) dst(%dma_wait3A_61 : memref<2176x128xf32, #tpu.memory_space<vmem_shared>>)
    %dma_wait3A_62 = arith.constant 0 : i32
    %dma_wait3A_63 = tpu.memref_slice %arg10[%sub3A_56, %dma_wait3A_62] : memref<72x192xi32, #tpu.memory_space<vmem>> -> memref<1x192xi32, #tpu.memory_space<vmem>>
    %dma_wait3A_64 = tpu.memref_squeeze %dma_wait3A_63 : memref<1x192xi32, #tpu.memory_space<vmem>> -> memref<192xi32, #tpu.memory_space<vmem>>
    %dma_wait3A_65 = arith.constant 0 : i32
    %dma_wait3A_66 = arith.constant 0 : i32
    %dma_wait3A_67 = tpu.memref_slice %arg17[%dma_wait3A_65, %dma_wait3A_66] : memref<2176x16xf32, #tpu.memory_space<vmem_shared>> -> memref<2176x16xf32, #tpu.memory_space<vmem_shared>>
    tpu.wait_indirect_dma semaphore(%arg21 : memref<!tpu.dma_semaphore, #tpu.memory_space<semaphore_mem>>) src(%arg15 : memref<192x16xf32, #tpu.memory_space<vmem>>) dst(%dma_wait3A_67 : memref<2176x16xf32, #tpu.memory_space<vmem_shared>>)
    %sub3A_68 = arith.constant 1 : i32
    %sub3A_69 = arith.subi %select_n3A, %sub3A_68 : i32
    %dma_wait3A_70 = arith.constant 0 : i32
    %dma_wait3A_71 = tpu.memref_slice %arg10[%sub3A_69, %dma_wait3A_70] : memref<72x192xi32, #tpu.memory_space<vmem>> -> memref<1x192xi32, #tpu.memory_space<vmem>>
    %dma_wait3A_72 = tpu.memref_squeeze %dma_wait3A_71 : memref<1x192xi32, #tpu.memory_space<vmem>> -> memref<192xi32, #tpu.memory_space<vmem>>
    %dma_wait3A_73 = arith.constant 0 : i32
    %dma_wait3A_74 = arith.constant 0 : i32
    %dma_wait3A_75 = tpu.memref_slice %arg16[%dma_wait3A_73, %dma_wait3A_74] : memref<2176x128xf32, #tpu.memory_space<vmem_shared>> -> memref<2176x128xf32, #tpu.memory_space<vmem_shared>>
    tpu.wait_indirect_dma semaphore(%arg20 : memref<!tpu.dma_semaphore, #tpu.memory_space<semaphore_mem>>) src(%arg14 : memref<192x128xf32, #tpu.memory_space<vmem>>) dst(%dma_wait3A_75 : memref<2176x128xf32, #tpu.memory_space<vmem_shared>>)
    %dma_wait3A_76 = arith.constant 0 : i32
    %dma_wait3A_77 = tpu.memref_slice %arg10[%sub3A_69, %dma_wait3A_76] : memref<72x192xi32, #tpu.memory_space<vmem>> -> memref<1x192xi32, #tpu.memory_space<vmem>>
    %dma_wait3A_78 = tpu.memref_squeeze %dma_wait3A_77 : memref<1x192xi32, #tpu.memory_space<vmem>> -> memref<192xi32, #tpu.memory_space<vmem>>
    %dma_wait3A_79 = arith.constant 0 : i32
    %dma_wait3A_80 = arith.constant 0 : i32
    %dma_wait3A_81 = tpu.memref_slice %arg17[%dma_wait3A_79, %dma_wait3A_80] : memref<2176x16xf32, #tpu.memory_space<vmem_shared>> -> memref<2176x16xf32, #tpu.memory_space<vmem_shared>>
    tpu.wait_indirect_dma semaphore(%arg22 : memref<!tpu.dma_semaphore, #tpu.memory_space<semaphore_mem>>) src(%arg15 : memref<192x16xf32, #tpu.memory_space<vmem>>) dst(%dma_wait3A_81 : memref<2176x16xf32, #tpu.memory_space<vmem_shared>>)
    %barrier3A_82 = arith.constant 0 : index
    tpu.barrier barrier_id(%barrier3A_82)
    %mul3A_83 = arith.constant 136 : i32
    %mul3A_84 = arith.muli %arg1, %mul3A_83 : i32
    %mul3A_85 = arith.constant 136 : i32
    %mul3A_86 = arith.muli %arg1, %mul3A_85 : i32
    "tpu.region"() ({
      %run_scoped3A = tpu.sem_alloc : memref<!tpu.dma_semaphore, #tpu.memory_space<semaphore_mem>>
      %dma_start3A_91 = arith.constant 0 : i32
      %dma_start3A_92 = tpu.memref_slice %arg7[%arg0, %mul3A_86, %dma_start3A_91] : memref<2x2176x128xf32, #tpu.memory_space<hbm>> -> memref<1x136x128xf32, #tpu.memory_space<hbm>>
      %dma_start3A_93 = tpu.memref_squeeze %dma_start3A_92 : memref<1x136x128xf32, #tpu.memory_space<hbm>> -> memref<136x128xf32, #tpu.memory_space<hbm>>
      %dma_start3A_94 = arith.constant 0 : i32
      %dma_start3A_95 = tpu.memref_slice %arg16[%mul3A_84, %dma_start3A_94] : memref<2176x128xf32, #tpu.memory_space<vmem_shared>> -> memref<136x128xf32, #tpu.memory_space<vmem_shared>>
      tpu.enqueue_dma source(%dma_start3A_95 : memref<136x128xf32, #tpu.memory_space<vmem_shared>>) target(%dma_start3A_93 : memref<136x128xf32, #tpu.memory_space<hbm>>) target_semaphore(%run_scoped3A : memref<!tpu.dma_semaphore, #tpu.memory_space<semaphore_mem>>)
      %dma_wait3A_96 = arith.constant 0 : i32
      %dma_wait3A_97 = tpu.memref_slice %arg7[%arg0, %mul3A_86, %dma_wait3A_96] : memref<2x2176x128xf32, #tpu.memory_space<hbm>> -> memref<1x136x128xf32, #tpu.memory_space<hbm>>
      %dma_wait3A_98 = tpu.memref_squeeze %dma_wait3A_97 : memref<1x136x128xf32, #tpu.memory_space<hbm>> -> memref<136x128xf32, #tpu.memory_space<hbm>>
      %dma_wait3A_99 = arith.constant 0 : i32
      %dma_wait3A_100 = tpu.memref_slice %arg16[%mul3A_84, %dma_wait3A_99] : memref<2176x128xf32, #tpu.memory_space<vmem_shared>> -> memref<136x128xf32, #tpu.memory_space<vmem_shared>>
      tpu.wait_dma2 semaphore(%run_scoped3A : memref<!tpu.dma_semaphore, #tpu.memory_space<semaphore_mem>>) src(%dma_wait3A_100 : memref<136x128xf32, #tpu.memory_space<vmem_shared>>) dst(%dma_wait3A_98 : memref<136x128xf32, #tpu.memory_space<hbm>>)
      tpu.yield
    }) : () -> ()
    %mul3A_87 = arith.constant 136 : i32
    %mul3A_88 = arith.muli %arg1, %mul3A_87 : i32
    %mul3A_89 = arith.constant 136 : i32
    %mul3A_90 = arith.muli %arg1, %mul3A_89 : i32
    "tpu.region"() ({
      %run_scoped3A = tpu.sem_alloc : memref<!tpu.dma_semaphore, #tpu.memory_space<semaphore_mem>>
      %dma_start3A_91 = arith.constant 0 : i32
      %dma_start3A_92 = tpu.memref_slice %arg8[%arg0, %mul3A_90, %dma_start3A_91] : memref<2x2176x16xf32, #tpu.memory_space<hbm>> -> memref<1x136x16xf32, #tpu.memory_space<hbm>>
      %dma_start3A_93 = tpu.memref_squeeze %dma_start3A_92 : memref<1x136x16xf32, #tpu.memory_space<hbm>> -> memref<136x16xf32, #tpu.memory_space<hbm>>
      %dma_start3A_94 = arith.constant 0 : i32
      %dma_start3A_95 = tpu.memref_slice %arg17[%mul3A_88, %dma_start3A_94] : memref<2176x16xf32, #tpu.memory_space<vmem_shared>> -> memref<136x16xf32, #tpu.memory_space<vmem_shared>>
      tpu.enqueue_dma source(%dma_start3A_95 : memref<136x16xf32, #tpu.memory_space<vmem_shared>>) target(%dma_start3A_93 : memref<136x16xf32, #tpu.memory_space<hbm>>) target_semaphore(%run_scoped3A : memref<!tpu.dma_semaphore, #tpu.memory_space<semaphore_mem>>)
      %dma_wait3A_96 = arith.constant 0 : i32
      %dma_wait3A_97 = tpu.memref_slice %arg8[%arg0, %mul3A_90, %dma_wait3A_96] : memref<2x2176x16xf32, #tpu.memory_space<hbm>> -> memref<1x136x16xf32, #tpu.memory_space<hbm>>
      %dma_wait3A_98 = tpu.memref_squeeze %dma_wait3A_97 : memref<1x136x16xf32, #tpu.memory_space<hbm>> -> memref<136x16xf32, #tpu.memory_space<hbm>>
      %dma_wait3A_99 = arith.constant 0 : i32
      %dma_wait3A_100 = tpu.memref_slice %arg17[%mul3A_88, %dma_wait3A_99] : memref<2176x16xf32, #tpu.memory_space<vmem_shared>> -> memref<136x16xf32, #tpu.memory_space<vmem_shared>>
      tpu.wait_dma2 semaphore(%run_scoped3A : memref<!tpu.dma_semaphore, #tpu.memory_space<semaphore_mem>>) src(%dma_wait3A_100 : memref<136x16xf32, #tpu.memory_space<vmem_shared>>) dst(%dma_wait3A_98 : memref<136x16xf32, #tpu.memory_space<hbm>>)
      tpu.yield
    }) : () -> ()
    return
  }
}

module attributes {stable_mosaic.version = 14 : i64} {
  func.func @_tc_combine(%arg0: memref<2x2176x128xf32, #tpu.memory_space<vmem>>, %arg1: memref<2x2176x16xf32, #tpu.memory_space<vmem>>, %arg2: memref<2048x128xf32, #tpu.memory_space<vmem>>, %arg3: memref<64x128xf32, #tpu.memory_space<vmem>>, %arg4: memref<1x64xf32, #tpu.memory_space<vmem>>, %arg5: memref<64x128xf32, #tpu.memory_space<vmem>>, %arg6: memref<2048x64xf32, #tpu.memory_space<vmem>>) attributes {dimension_semantics = [], scalar_prefetch = 0 : i64, scratch_operands = 0 : i64, tpu.core_type = #tpu.core_type<tc>} {
    %get3A = arith.constant 0 : index
    %get3A_0 = arith.constant 0 : index
    %get3A_1 = arith.constant 0 : index
    %get3A_2 = vector.load %arg0[%get3A, %get3A_0, %get3A_1] : memref<2x2176x128xf32, #tpu.memory_space<vmem>>, vector<1x2176x128xf32>
    %get3A_3 = vector.shape_cast %get3A_2 : vector<1x2176x128xf32> to vector<2176x128xf32>
    %slice3A = vector.extract_strided_slice %get3A_3 {offsets = [0, 0], sizes = [2048, 128], strides = [1, 1]} : vector<2176x128xf32> to vector<2048x128xf32>
    %get3A_4 = arith.constant 1 : index
    %get3A_5 = arith.constant 0 : index
    %get3A_6 = arith.constant 0 : index
    %get3A_7 = vector.load %arg0[%get3A_4, %get3A_5, %get3A_6] : memref<2x2176x128xf32, #tpu.memory_space<vmem>>, vector<1x2176x128xf32>
    %get3A_8 = vector.shape_cast %get3A_7 : vector<1x2176x128xf32> to vector<2176x128xf32>
    %slice3A_9 = vector.extract_strided_slice %get3A_8 {offsets = [0, 0], sizes = [2048, 128], strides = [1, 1]} : vector<2176x128xf32> to vector<2048x128xf32>
    %add3A = arith.addf %slice3A, %slice3A_9 : vector<2048x128xf32>
    %get3A_10 = arith.constant 0 : index
    %get3A_11 = arith.constant 0 : index
    %get3A_12 = arith.constant 0 : index
    %get3A_13 = vector.load %arg1[%get3A_10, %get3A_11, %get3A_12] : memref<2x2176x16xf32, #tpu.memory_space<vmem>>, vector<1x2176x16xf32>
    %get3A_14 = vector.shape_cast %get3A_13 : vector<1x2176x16xf32> to vector<2176x16xf32>
    %slice3A_15 = vector.extract_strided_slice %get3A_14 {offsets = [0, 0], sizes = [2048, 1], strides = [1, 1]} : vector<2176x16xf32> to vector<2048x1xf32>
    %get3A_16 = arith.constant 1 : index
    %get3A_17 = arith.constant 0 : index
    %get3A_18 = arith.constant 0 : index
    %get3A_19 = vector.load %arg1[%get3A_16, %get3A_17, %get3A_18] : memref<2x2176x16xf32, #tpu.memory_space<vmem>>, vector<1x2176x16xf32>
    %get3A_20 = vector.shape_cast %get3A_19 : vector<1x2176x16xf32> to vector<2176x16xf32>
    %slice3A_21 = vector.extract_strided_slice %get3A_20 {offsets = [0, 0], sizes = [2048, 1], strides = [1, 1]} : vector<2176x16xf32> to vector<2048x1xf32>
    %add3A_22 = arith.addf %slice3A_15, %slice3A_21 : vector<2048x1xf32>
    %max3A = arith.constant 1.000000e+00 : f32
    %max3A_23 = vector.broadcast %max3A : f32 to vector<2048x1xf32>
    %max3A_24 = arith.maximumf %add3A_22, %max3A_23 : vector<2048x1xf32>
    %div3A = vector.broadcast %max3A_24 : vector<2048x1xf32> to vector<2048x128xf32>
    %div3A_25 = arith.divf %add3A, %div3A : vector<2048x128xf32>
    %get3A_26 = arith.constant 0 : index
    %get3A_27 = arith.constant 0 : index
    %get3A_28 = vector.load %arg3[%get3A_26, %get3A_27] : memref<64x128xf32, #tpu.memory_space<vmem>>, vector<64x128xf32>
    %dot_general3A = arith.constant dense<0.000000e+00> : vector<2048x64xf32>
    %dot_general3A_29 = tpu.matmul %div3A_25, %get3A_28, %dot_general3A {dimension_numbers = #tpu.dot_dimension_numbers<[1], [1], [0], [0], [0, 0, 1, 0], [], []>, transpose_lhs_hint = false} : vector<2048x128xf32>, vector<64x128xf32>, vector<2048x64xf32> -> vector<2048x64xf32>
    %get3A_30 = arith.constant 0 : index
    %get3A_31 = arith.constant 0 : index
    %get3A_32 = vector.load %arg4[%get3A_30, %get3A_31] : memref<1x64xf32, #tpu.memory_space<vmem>>, vector<1x64xf32>
    %add3A_33 = vector.broadcast %get3A_32 : vector<1x64xf32> to vector<2048x64xf32>
    %add3A_34 = arith.addf %dot_general3A_29, %add3A_33 : vector<2048x64xf32>
    %get3A_35 = arith.constant 0 : index
    %get3A_36 = arith.constant 0 : index
    %get3A_37 = vector.load %arg2[%get3A_35, %get3A_36] : memref<2048x128xf32, #tpu.memory_space<vmem>>, vector<2048x128xf32>
    %get3A_38 = arith.constant 0 : index
    %get3A_39 = arith.constant 0 : index
    %get3A_40 = vector.load %arg5[%get3A_38, %get3A_39] : memref<64x128xf32, #tpu.memory_space<vmem>>, vector<64x128xf32>
    %dot_general3A_41 = arith.constant dense<0.000000e+00> : vector<2048x64xf32>
    %dot_general3A_42 = tpu.matmul %get3A_37, %get3A_40, %dot_general3A_41 {dimension_numbers = #tpu.dot_dimension_numbers<[1], [1], [0], [0], [0, 0, 1, 0], [], []>, transpose_lhs_hint = false} : vector<2048x128xf32>, vector<64x128xf32>, vector<2048x64xf32> -> vector<2048x64xf32>
    %add3A_43 = arith.addf %add3A_34, %dot_general3A_42 : vector<2048x64xf32>
    %reduce_max3A = arith.constant dense<0xFF800000> : vector<2048xf32>
    %reduce_max3A_44 = vector.multi_reduction <maximumf>, %add3A_43, %reduce_max3A [1] : vector<2048x64xf32> to vector<2048xf32>
    %broadcast_in_dim3A = vector.shape_cast %reduce_max3A_44 : vector<2048xf32> to vector<2048x1xf32>
    %sub3A = vector.broadcast %broadcast_in_dim3A : vector<2048x1xf32> to vector<2048x64xf32>
    %sub3A_45 = arith.subf %add3A_43, %sub3A : vector<2048x64xf32>
    %exp3A = math.exp %sub3A_45 : vector<2048x64xf32>
    %reduce_sum3A = arith.constant dense<0.000000e+00> : vector<2048xf32>
    %reduce_sum3A_46 = vector.multi_reduction <add>, %exp3A, %reduce_sum3A [1] : vector<2048x64xf32> to vector<2048xf32>
    %broadcast_in_dim3A_47 = vector.shape_cast %reduce_sum3A_46 : vector<2048xf32> to vector<2048x1xf32>
    %log3A = math.log %broadcast_in_dim3A_47 : vector<2048x1xf32>
    %sub3A_48 = vector.broadcast %log3A : vector<2048x1xf32> to vector<2048x64xf32>
    %sub3A_49 = arith.subf %sub3A_45, %sub3A_48 : vector<2048x64xf32>
    %swap3A = arith.constant 0 : index
    %swap3A_50 = arith.constant 0 : index
    %swap3A_51 = vector.load %arg6[%swap3A, %swap3A_50] : memref<2048x64xf32, #tpu.memory_space<vmem>>, vector<2048x64xf32>
    tpu.vector_store %arg6[%swap3A, %swap3A_50], %sub3A_49 {strides = array<i32>} : memref<2048x64xf32, #tpu.memory_space<vmem>>, vector<2048x64xf32>,
    return
  }
}

</mosaic_0001>

<sc_bundles>
// kernel: kernel.4.cloned.1.call-start
scs
__scs_entry_jumppad:
0x0: {  	(pc) =	sbr.rel $0x88, $3  }
0x1: {  	(tag) =	ssettag $0x0;
	lr =	simm.s32 $0x1  }
0x2: {  	[smem:$0x3F9C] =	sst lr;
	_ =	strace $0xD0000000  }
0x3: {  	_ = 	snop  }
0x4: {  	_ = 	snop  }
0x5: {  	_ = 	snop  }
0x6: {  	_ = 	snop  }
0x7: {  	_ = 	snop  }
__scs_overlays_trampoline_lowered:
0x8: {  	[smem:$0x3FAB] =	sst s0  }
0x9: {  	[smem:$0x3FAC] =	sst s1  }
0xa: {  	[smem:$0x3FAD] =	sst s2  }
0xb: {  	[smem:$0x3FAE] =	sst s3  }
0xc: {  	[smem:$0x3FAF] =	sst s4  }
0xd: {  	[smem:$0x3FB0] =	sst s5  }
0xe: {  	[smem:$0x3FB1] =	sst s6  }
0xf: {  	[smem:$0x3FB2] =	sst s7  }
0x10: {  	[smem:$0x3FB3] =	sst s8  }
0x11: {  	[smem:$0x3FB4] =	sst s9;
	s0 =	simm.s32 @!p0 $0x0  }
0x12: {  	s1 =	sld [smem:$0x3F9A];
	s0 =	simm.s32 @p0 $0x1  }
0x13: {  	[smem:$0x3FB5] =	sst s0;
	s0 =	simm.s32 @!p1 $0x0  }
0x14: {  	s2 =	sld [smem:$0x3F99];
	s0 =	simm.s32 @p1 $0x1  }
0x15: {  	[smem:$0x3FB6] =	sst s0;
	s0 =	simm.s32 @!p2 $0x0  }
0x16: {  	s3 =	sld [smem:$0x3FDB];
	s0 =	simm.s32 @p2 $0x1  }
0x17: {  	s4 =	simm.s32 $0x1BF5;
	[smem:$0x3FB8] =	sst s0  }
0x18: {  	s0 =	sld [smem:$0x3F9B];
	_ =	swait.ge [sflag:s4], $0x0  }
0x19: {  	s7 =	sld [smem:$0x3F9C]  }
0x1a: {  	s8 =	sadd.s32 $0xFFFFE003, lr  }
0x1b: {  	s9 =	sadd.s32 $0xFFFFFEF7, lr;
	s5 =	simm.s32 $0xFFFFFFFF;
	p2 =	slt.u32 s8, $0xFFFFF086  }
0x1c: {  	p1 =	slt.u32 s9, $0xF7A;
	s5 =	simm.s32 @!p2 $0x0  }
0x1d: {  	s5 =	simm.s32 @p1 $0x1;
	p0 =	seq.s32 s7, s2  }
0x1e: {  	s7 =	smul.u32 @!p0 $0xF7A, s2;
	p2 =	seq.s32 @!p0 s5, $0x0  }
0x1f: {  	s9 =	smul.u32 $0xF7A, s1;
	s8 =	simm.s32 @!p0 $0x1BF5;
	p2 =	por !p2, p0  }
0x20: {  	[sflag:s8] =	ssyncset.s32 @!p0 $0xFFFFF086;
	s6 =	sadd.s32 @!p0 s3, s7;
	s7 =	simm.s32 @!p0 $0x108  }
0x21: {  	s3 =	sadd.s32 s3, s9;
	s6 =	sadd.s32 @!p0 $0x88, s6;
	s7 =	simm.s32 @p2 $0x1082  }
0x22: {  	[simem:s7], [sflag:s8] =	dma.local @!p0 [hbm:s6], $0xF7A  }
0x23: {  	s9 =	sor.u32 $0xD0000000, s2;
	s6 =	simm.s32 $0x108;
	_ =	swait.ge @!p0 [sflag:s8], $0x0  }
0x24: {  	s3 =	sadd.s32 $0x88, s3;
	s6 =	simm.s32 @!p1 $0x1082;
	[sflag:s4] =	ssyncset.s32 $0xFFFFF086  }
0x25: {  	[simem:s6], [sflag:s4] =	dma.local [hbm:s3], $0xF7A  }
0x26: {  	[smem:$0x3F9C] =	sst s1;
	(tag) =	ssettag s2;
	_ =	strace s9  }
0x27: {  	s1 =	sld [smem:$0x3FAC]  }
0x28: {  	s2 =	sld [smem:$0x3FAD]  }
0x29: {  	s4 =	sld [smem:$0x3FAF]  }
0x2a: {  	p0 =	seq.s32 s5, $0x0;
	s5 =	sld [smem:$0x3FB0]  }
0x2b: {  	s6 =	sld [smem:$0x3FB1]  }
0x2c: {  	s7 =	sld [smem:$0x3FB2]  }
0x2d: {  	s3 =	simm.s32 $0x108;
	s8 =	sld [smem:$0x3FB3]  }
0x2e: {  	s3 =	simm.s32 @!p0 $0x1082;
	s9 =	sld [smem:$0x3FB4]  }
0x2f: {  	lr =	sadd.s32 s0, s3;
	s0 =	sld [smem:$0x3FAB]  }
0x30: {  	s3 =	sld [smem:$0x3FAE]  }
0x31: {  	[smem:$0x3FB7] =	sst s10  }
0x32: {  	s10 =	sld [smem:$0x3FB5];
	_ =	sdelay $0x3  }
0x33: {  	p0 =	seq.s32 s10, $0x1;
	s10 =	sld [smem:$0x3FB7];
	_ =	sdelay $0x3  }
0x34: {  	[smem:$0x3FB7] =	sst s10  }
0x35: {  	s10 =	sld [smem:$0x3FB6];
	_ =	sdelay $0x3  }
0x36: {  	p1 =	seq.s32 s10, $0x1;
	s10 =	sld [smem:$0x3FB7];
	_ =	sdelay $0x3  }
0x37: {  	[smem:$0x3FB7] =	sst s10  }
0x38: {  	s10 =	sld [smem:$0x3FB8]  }
0x39: {  	_ = 	snop;
	(pc) =	sbr.ind lr, $3  }
0x3a: {  	_ = 	snop  }
0x3b: {  	_ = 	snop  }
0x3c: {  	p2 =	seq.s32 s10, $0x1;
	s10 =	sld [smem:$0x3FB7]  }
0x3d: {  	_ =	shalt  }
0x3e: {  	_ =	shalt  }
0x3f: {  	_ =	shalt  }
0x40: {  	_ =	shalt  }
0x41: {  	_ =	shalt  }
0x42: {  	_ =	shalt  }
0x43: {  	_ =	shalt  }
0x44: {  	_ =	shalt  }
0x45: {  	_ =	shalt  }
0x46: {  	_ =	shalt  }
0x47: {  	_ =	shalt  }
0x48: {  	_ =	shalt  }
0x49: {  	_ =	shalt  }
0x4a: {  	_ =	shalt  }
0x4b: {  	_ =	shalt  }
0x4c: {  	_ =	shalt  }
0x4d: {  	_ =	shalt  }
0x4e: {  	_ =	shalt  }
0x4f: {  	_ =	shalt  }
0x50: {  	_ =	shalt  }
0x51: {  	_ =	shalt  }
0x52: {  	_ =	shalt  }
0x53: {  	_ =	shalt  }
0x54: {  	_ =	shalt  }
0x55: {  	_ =	shalt  }
0x56: {  	_ =	shalt  }
0x57: {  	_ =	shalt  }
0x58: {  	_ =	shalt  }
0x59: {  	_ =	shalt  }
0x5a: {  	_ =	shalt  }
0x5b: {  	_ =	shalt  }
0x5c: {  	_ =	shalt  }
0x5d: {  	_ =	shalt  }
0x5e: {  	_ =	shalt  }
0x5f: {  	_ =	shalt  }
0x60: {  	_ =	shalt  }
0x61: {  	_ =	shalt  }
0x62: {  	_ =	shalt  }
0x63: {  	_ =	shalt  }
0x64: {  	_ =	shalt  }
0x65: {  	_ =	shalt  }
0x66: {  	_ =	shalt  }
0x67: {  	_ =	shalt  }
0x68: {  	_ =	shalt  }
0x69: {  	_ =	shalt  }
0x6a: {  	_ =	shalt  }
0x6b: {  	_ =	shalt  }
0x6c: {  	_ =	shalt  }
0x6d: {  	_ =	shalt  }
0x6e: {  	_ =	shalt  }
0x6f: {  	_ =	shalt  }
0x70: {  	_ =	shalt  }
0x71: {  	_ =	shalt  }
0x72: {  	_ =	shalt  }
0x73: {  	_ =	shalt  }
0x74: {  	_ =	shalt  }
0x75: {  	_ =	shalt  }
0x76: {  	_ =	shalt  }
0x77: {  	_ =	shalt  }
0x78: {  	_ =	shalt  }
0x79: {  	_ =	shalt  }
0x7a: {  	_ =	shalt  }
0x7b: {  	_ =	shalt  }
0x7c: {  	_ =	shalt  }
0x7d: {  	_ =	shalt  }
0x7e: {  	_ =	shalt  }
0x7f: {  	_ =	shalt  }
0x80: {  	_ =	shalt  }
0x81: {  	_ =	shalt  }
0x82: {  	_ =	shalt  }
0x83: {  	_ =	shalt  }
0x84: {  	_ =	shalt  }
0x85: {  	_ =	shalt  }
0x86: {  	_ =	shalt  }
0x87: {  	_ =	shalt  }
.Lfunc_end0:
.L_simem_size_0:
called_computation_lowered:
.L_overlay_start_0:
0x88: {  	s2 =	sld [smem:$0x3FD9]  }
0x89: {  	s3 =	sld [smem:$0x3FFE];
	_ =	sdelay $0x1  }
0x8a: {  	s1 =	srdreg.scid  }
0x8b: {  	s0 =	sand.u32 $0x1, s1  }
0x8c: {  	s17 =	sshll.u32 s0, $0xA;
	s2 =	sadd.s32 s3, s2  }
0x8d: {  	s2 =	sadd.s32 s2, s17  }
0x8e: {  	[smem:$0x3FC3] =	sst s2  }
0x8f: {  	_ = 	snop  }
0x90: {  	s2 =	sld [smem:$0x3FD0];
	(tm) =	ssettm $0x1  }
0x91: {  	s18 =	sld [smem:$0x3FFB];
	_ =	sdelay $0x3  }
0x92: {  	_ =	strace s18  }
0x93: {  	s3 =	sld [smem:$0x3FFC];
	_ =	sdelay $0x3  }
0x94: {  	_ =	strace s3  }
0x95: {  	s3 =	sld [smem:$0x3FFD];
	_ =	sdelay $0x3  }
0x96: {  	_ =	strace s3  }
0x97: {  	_ =	strace $0x8FFFFFFF  }
0x98: {  	s19 =	sld [smem:$0x3FDB];
	_ =	sdelay $0x1  }
0x99: {  	s4 =	simm.s32 $_scs_section_size  }
0x9a: {  	s5 =	simm.s32 $_size__tile_overlayer_lowered;
	s6 =	simm.s32 $_tile_overlayer_lowered  }
0x9b: {  	s22 =	simm.s32 $0x1BFF;
	s21 =	sshll.u32 s6, $0x1;
	s3 =	sadd.s32 s4, s19  }
0x9c: {  	s7 =	simm.s32 $0x0;
	s20 =	sshll.u32 s5, $0x1;
	s5 =	sadd.s32 s21, s3  }
0x9d: {  	[timem:s7], [sflag:s22] =	dma.local [hbm:s5], s20  }
0x9e: {  	_ =	swait.ge [sflag:s22], s20  }
0x9f: {  	s4 =	ssub.s32 $0x0, s20;
	[sflag:s22] =	ssyncset.done $0x0  }
0xa0: {  	[sflag:s22] =	ssyncadd.s32 s4;
	_ =	sdelay $0x1  }
0xa1: {  	s23 =	simm.s32 $0x1B8B  }
0xa2: {  	_ =	swait.ge [sflag:s23], $0x1  }
0xa3: {  	[sflag:s23] =	ssyncset.done $0x0  }
0xa4: {  	s25 =	simm.s32 $0x1B8E;
	s24 =	sld [smem:$0x3FFE];
	[sflag:s23] =	ssyncadd.s32 $0xFFFFFFFF  }
0xa5: {  	s26 =	simm.s32 $execute0_lowered;
	[smem:$0x3FD2] =	sst s25  }
0xa6: {  	s5 =	sshll.u32 s26, $0x1;
	_ =	strace $0x80000046;
	[dreg:$0x1] =	wrdreg $0xFFFFFFFF  }
0xa7: {  	s28 =	simm.s32 $_size_execute0_lowered;
	s3 =	sadd.s32 s3, s5;
	[dreg:$0x0] =	wrdreg $0x0  }
0xa8: {  	s5 =	sshll.u32 s28, $0x1;
	[dreg:$0x2] =	wrdreg s3  }
0xa9: {  	[dreg:$0x3] =	wrdreg s5  }
0xaa: {  	[dreg:$0x4] =	wrdreg $0xC0  }
0xab: {  	_ =	task [dreg:s7], $0x5FFFF  }
0xac: {  	[dreg:$0x1] =	wrdreg $0xFFFFFFFF  }
0xad: {  	[dreg:$0x0] =	wrdreg $0x60  }
0xae: {  	[dreg:$0x2] =	wrdreg s24  }
0xaf: {  	[dreg:$0x3] =	wrdreg s2  }
0xb0: {  	[dreg:$0x4] =	wrdreg $0x198000  }
0xb1: {  	[dreg:$0x5] =	wrdreg $0x1DC000  }
0xb2: {  	[dreg:$0x6] =	wrdreg $0x9  }
0xb3: {  	_ =	task.clear_ibuf [dreg:s7], $0x7FFFF;
	_ =	strace $0x90000046  }
0xb4: {  	s29 =	simm.s32 $0x9;
	_ =	strace $0x80000048  }
0xb5: {  	_ =	swait.ge [sflag:s29], $0x1  }
0xb6: {  	[sflag:s29] =	ssyncadd.s32 $0xFFFFFFFF  }
0xb7: {  	_ =	strace $0x90000048  }
0xb8: {  	_ =	sfence  }
0xb9: {  	s30 =	sld [smem:$0x0];
	_ =	sdelay $0x2  }
0xba: {  	s31 =	sshll.u32 s1, $0xD;
	s1 =	sshrl.u32 s1, $0x2  }
0xbb: {  	s3 =	sand.u32 $0x4000, s31;
	s1 =	sadd.s32 s1, s30  }
0xbc: {  	s0 =	sor.u32 s3, s0;
	s1 =	sshll.u32 s1, $0x11  }
0xbd: {  	s0 =	sor.u32 s1, s0  }
0xbe: {  	s0 =	sadd.s32 $0x8F2B, s0  }
0xbf: {  	[sflag:s0] =	ssyncadd.remote.s32 $0x1  }
0xc0: {  	_ =	sfence.sel $0xFFFF  }
0xc1: {  	[dreg:$0x0] =	wrdreg $0xFFFFFFFF;
	(pc) =	sbr.abs _section_cstart, $3  }
0xc2: {  	[dreg:$0x1] =	wrdreg $0xFFFFFFFF  }
0xc3: {  	_ =	task.clear_ibuf [dreg:s7], $0x2FFFF;
	_ =	strace $0x9FFFFFFF  }
0xc4: {  	(tm) =	ssettm $0x7FFFFFFF  }
0xc5: {  	_ =	shalt  }
tec
execute0_lowered:
.L_overlay_start_1:
0x0: {  	(tag) =	ssettag $0x1  }
0x1: {  	s0 =	rddreg [dreg:$0x0];
	s15 =	stileid.u32  }
0x2: {  	s1 =	srdreg.scid;
	s4 =	rddreg [dreg:$0x1]  }
0x3: {  	s2 =	rddreg [dreg:$0x2];
	s21 =	simm.s32 $0x0;
	s17 =	simm.s32 $0x6  }
0x4: {  	s20 =	simm.s32 $0xC0;
	s28 =	simm.s32 $0x4;
	s3 =	smul.u32 $0x22, s15  }
0x5: {  	s29 =	simm.s32 $0x3;
	s30 =	simm.s32 $0x5;
	s5 =	smul.u32 $0x48, s15  }
0x6: {  	s31 =	simm.s32 $0x0;
	s1 =	sand.u32 $0x1, s1;
	s7 =	smul.u32 $0x4400, s15  }
0x7: {  	[smem:$0x7FF] =	sst s21;
	s9 =	smul.u32 $0x880, s15;
	s25 =	sshll.u32 s15, $0x6  }
0x8: {  	p0 =	seq.s32 s1, $0x0;
	s10 =	smul.u32 $0x44000, s1;
	s24 =	ssub.s32 $0x2, s1  }
0x9: {  	s1 =	smul.u32 $0x8800, s1;
	s6 =	sadd.s32 $0x480, s3;
	s3 =	rddreg [dreg:$0x3]  }
0xa: {  	_ =	strace $0x80000047;
	s8 =	sshrl.u32 s7, $0x3;
	s22 =	sshrl.u32 s9, $0x3  }
0xb: {  	s14 =	sshrl.u32 s24, $0x1;
	s6 =	smov.u32 @p0 s5;
	s5 =	sadd.s32 $0x600, s0  }
0xc: {  	s8 =	sadd.s32 s8, s0;
	s12 =	sadd.s32 s22, s0;
	s23 =	sadd.s32 s7, s10  }
0xd: {  	s10 =	ssub.s32 s24, s14;
	s7 =	sadd.s32 s7, s2;
	s18 =	sadd.s32 s9, s3  }
0xe: {  	s1 =	sadd.s32 s9, s1;
	s22 =	simm.s32 $0x1;
	s24 =	simm.s32 $0x18C00  }
0xf: {  	s6 =	smul.u32 $0x18, s6;
	s13 =	sshrl.u32 s23, $0x3;
	s8 =	sadd.s32 $0x28C00, s8  }
0x10: {  	s12 =	sadd.s32 $0x31400, s12;
	s1 =	sshrl.u32 s1, $0x3;
	s15 =	smax.u32 s10, $0x1  }
0x11: {  	s16 =	sshrl.u32 s7, $0x3;
	s18 =	sshrl.u32 s18, $0x3;
	[dreg:$0x5] =	wrdreg s8  }
0x12: {  	s23 =	simm.s32 $0xCC00;
	s8 =	sor.u32 $0x1C06, s25;
	[dreg:$0x6] =	wrdreg s12  }
0x13: {  	s14 =	sadd.s32 s4, s1;
	s11 =	sadd.s32 s6, s0;
	s6 =	simm.s32 $0x48  }
0x14: {  	s25 =	simm.s32 $0x12C00;
	s0 =	sadd.s32 s13, s0;
	s6 =	simm.s32 @!p0 $0x22  }
0x15: {  	s26 =	sadd.s32 $0x14000, s11;
	s11 =	sadd.s32 $0x1E600, s11;
	s13 =	sadd.s32 $0x32600, s0  }
0x16: {  	v0 =	vimm.f32 $1.000000000e+00;
	[dreg:$0x7] =	wrdreg s26;
	s12 =	sshrl.u32 s6, $0x1;
	s26 =	simm.s32 $0x2  }
.LBB2_1:
0x17: {  	s0 =	rddreg [dreg:$0x5]  }
0x18: {  	[spmem:s16], [sflag:s8] =	dma.local [hbm:s0], $0x880  }
0x19: {  	_ =	swait.ge [sflag:s17], $0x880  }
0x1a: {  	[sflag:s17] =	ssyncset.done $0x0  }
0x1b: {  	s10 =	rddreg [dreg:$0x6];
	[sflag:s17] =	ssyncadd.s32 $0xFFFFF780  }
0x1c: {  	[spmem:s18], [sflag:s8] =	dma.local [hbm:s10], $0x110  }
0x1d: {  	_ =	swait.ge [sflag:s17], $0x110  }
0x1e: {  	[sflag:s17] =	ssyncset.done $0x0  }
0x1f: {  	s19 =	simm.s32 $0x0;
	s1 =	rddreg [dreg:$0x7];
	[sflag:s17] =	ssyncadd.s32 $0xFFFFFEF0  }
0x20: {  	[tilespmem:s19], [sflag:$0x6] =	stream.linear.gather [hbm4b:s1+s19], $0x3600, $0x38;
	[tilespmem:$0x1E480] =	vst v63  }
0x21: {  	_ =	swait.ge [sflag:s17], $0x3600  }
0x22: {  	[sflag:s17] =	ssyncset.done $0x0  }
0x23: {  	s21 =	simm.s32 $0x3600;
	[sflag:s17] =	ssyncadd.s32 $0xFFFFCA00  }
0x24: {  	[tilespmem:s21], [sflag:$0x6] =	stream.linear.gather [hbm4b:s11+s19], $0x3600, $0x38;
	[tilespmem:$0x1E480] =	vst v63  }
0x25: {  	_ =	swait.ge [sflag:s17], $0x3600  }
0x26: {  	[sflag:s17] =	ssyncset.done $0x0  }
0x27: {  	s0 =	simm.s32 $0x40;
	s1 =	simm.s32 $0x0;
	[sflag:s17] =	ssyncadd.s32 $0xFFFFCA00  }
.LBB2_2:
0x28: {  	p0 =	sne.s32 s0, $0x2FC0;
	[tilespmem:s1+$0x18C00] =	vst v0;
	s1 =	smov.u32 s0;
	s0 =	sadd.s32 $0x40, s0  }
.Ltmp0:
0x29: {  	(pc) =	sbr.rel @p0 .LBB2_2-.Ltmp0, $2  }
0x2a: {  	_ =	sdelay $0x2  }
0x2b: {  	s1 =	sshra.s32 s1, $0x2  }
0x2c: {  	[tilespmem:s1+$0x18C00] =	vst v0  }
0x2d: {  	s1 =	simm.s32 $0x0;
	s0 =	simm.s32 $0x6C00;
	[bflag:$0x0] =	sbarrier.arrive $0xFFFF  }
0x2e: {  	[tilespmem:s0], [sflag:$0x1] =	stream.indirect.gather [hbm4b:s5+s20], $0x40, s1, s20, $0xb8;
	[tilespmem:$0x1E480] =	vst v63  }
.LBB2_4:
0x2f: {  	s0 =	sshllo.u32 s1, $0x1  }
0x30: {  	_ =	swait.ge [sflag:s22], $0x3000;
	p0 =	sge.u32 s0, s6  }
0x31: {  	[sflag:s22] =	ssyncset.done $0x0;
	s4 =	smul.u32 @!p0 $0x300, s0  }
0x32: {  	[sflag:s22] =	ssyncadd.s32 $0xFFFFD000  }
0x33: {  	s7 =	simm.s32 @!p0 $0xC0;
	s9 =	simm.s32 @!p0 $0x9C00;
	s4 =	sshra.s32 @!p0 s4, $0x2  }
0x34: {  	[tilespmem:s9], [sflag:$0x1] =	stream.indirect.gather @!p0 [hbm4b:s5+s7], $0x40, s4, s7, $0xb8;
	[tilespmem:$0x1E480] =	vst v63  }
0x35: {  	p0 =	seq.s32 s1, $0x0  }
0x36: {  	s4 =	simm.s32 @!p0 $0x2  }
0x37: {  	_ =	swait.ge @!p0 [sflag:s4], $0x6000  }
0x38: {  	[sflag:s4] =	ssyncset.done @!p0 $0x0  }
0x39: {  	[sflag:s4] =	ssyncadd.s32 @!p0 $0xFFFFA000;
	s4 =	simm.s32 @!p0 $0x4  }
0x3a: {  	_ =	swait.ge @!p0 [sflag:s4], $0xC00  }
0x3b: {  	[sflag:s4] =	ssyncset.done @!p0 $0x0  }
0x3c: {  	s21 =	simm.s32 $0x6C80;
	[sflag:s4] =	ssyncadd.s32 @!p0 $0xFFFFF400  }
0x3d: {  	v1 =	vld [tilespmem:s21+$0x40];
	_ =	sdelay $0x1  }
0x3e: {  	v2 =	vld [tilespmem:s21+$0xFFFFFFC0]  }
0x3f: {  	v3 =	vld [tilespmem:s21+$0xFFFFFF80];
	_ =	sdelay $0x1  }
0x40: {  	s19 =	simm.s32 $0xCD00;
	v4 =	vshll.u32 v1, $0x10  }
0x41: {  	v5 =	vld [tilespmem:s21+$0x0];
	v1 =	vand.u32 $0xFFFF0000, v1;
	[tilespmem:s19+$0x80] =	vst v4  }
0x42: {  	v4 =	vshll.u32 v2, $0x10;
	[tilespmem:s19+$0xC0] =	vst v1  }
0x43: {  	v1 =	vshll.u32 v3, $0x10;
	[tilespmem:s19+$0xFFFFFF80] =	vst v4;
	v4 =	vld [tilespmem:s21+$0x50]  }
0x44: {  	v3 =	vand.u32 $0xFFFF0000, v3;
	[tilespmem:s19+$0xFFFFFF00] =	vst v1  }
0x45: {  	v1 =	vand.u32 $0xFFFF0000, v2;
	[tilespmem:s19+$0xFFFFFF40] =	vst v3  }
0x46: {  	v2 =	vshll.u32 v5, $0x10;
	v3 =	vld [tilespmem:s21+$0xFFFFFF90];
	[tilespmem:s19+$0xFFFFFFC0] =	vst v1  }
0x47: {  	v1 =	vand.u32 $0xFFFF0000, v5;
	[tilespmem:s19+$0x0] =	vst v2  }
0x48: {  	v2 =	vld [tilespmem:s21+$0xFFFFFFD0];
	[tilespmem:s19+$0x40] =	vst v1;
	v1 =	vshll.u32 v4, $0x10  }
0x49: {  	v4 =	vand.u32 $0xFFFF0000, v4;
	[tilespmem:s19+$0x90] =	vst v1  }
0x4a: {  	v1 =	vld [tilespmem:s21+$0x10];
	[tilespmem:s19+$0xD0] =	vst v4  }
0x4b: {  	v4 =	vshll.u32 v3, $0x10;
	v5 =	vld [tilespmem:s21+$0x60]  }
0x4c: {  	v3 =	vand.u32 $0xFFFF0000, v3;
	[tilespmem:s19+$0xFFFFFF10] =	vst v4  }
0x4d: {  	v4 =	vshll.u32 v2, $0x10;
	[tilespmem:s19+$0xFFFFFF50] =	vst v3  }
0x4e: {  	v2 =	vand.u32 $0xFFFF0000, v2;
	[tilespmem:s19+$0xFFFFFF90] =	vst v4  }
0x4f: {  	v3 =	vld [tilespmem:s21+$0xFFFFFFA0];
	[tilespmem:s19+$0xFFFFFFD0] =	vst v2;
	v4 =	vshll.u32 v1, $0x10  }
0x50: {  	[tilespmem:s19+$0x10] =	vst v4;
	v2 =	vshll.u32 v5, $0x10  }
0x51: {  	v4 =	vld [tilespmem:s21+$0xFFFFFFE0];
	v5 =	vand.u32 $0xFFFF0000, v5;
	[tilespmem:s19+$0xA0] =	vst v2  }
0x52: {  	v1 =	vand.u32 $0xFFFF0000, v1;
	[tilespmem:s19+$0xE0] =	vst v5  }
0x53: {  	[tilespmem:s19+$0x50] =	vst v1;
	v1 =	vld [tilespmem:s21+$0x70]  }
0x54: {  	v2 =	vshll.u32 v3, $0x10  }
0x55: {  	v5 =	vld [tilespmem:s21+$0x20];
	v3 =	vand.u32 $0xFFFF0000, v3;
	[tilespmem:s19+$0xFFFFFF20] =	vst v2  }
0x56: {  	[tilespmem:s19+$0xFFFFFF60] =	vst v3;
	v3 =	vand.u32 $0xFFFF0000, v4  }
0x57: {  	v2 =	vshll.u32 v4, $0x10;
	[tilespmem:s19+$0xFFFFFFE0] =	vst v3;
	v3 =	vld [tilespmem:s21+$0xFFFFFFB0]  }
0x58: {  	[tilespmem:s19+$0xFFFFFFA0] =	vst v2;
	v2 =	vand.u32 $0xFFFF0000, v1  }
0x59: {  	[tilespmem:s19+$0xF0] =	vst v2;
	v2 =	vld [tilespmem:s21+$0xFFFFFFF0]  }
0x5a: {  	s10 =	simm.s32 $0x6D80;
	v6 =	vshll.u32 v5, $0x10  }
0x5b: {  	s9 =	simm.s32 $0x0;
	s7 =	simm.s32 $0xCD00;
	s4 =	sshll.u32 s1, $0x1;
	v4 =	vand.u32 $0xFFFF0000, v5;
	v1 =	vshll.u32 v1, $0x10;
	[tilespmem:s19+$0x20] =	vst v6  }
.LBB2_5:
0x5c: {  	v5 =	vld [tilespmem:s10+$0x40];
	v6 =	vshll.u32 v3, $0x10;
	v3 =	vand.u32 $0xFFFF0000, v3;
	[tilespmem:s19+$0x60] =	vst v4  }
0x5d: {  	v4 =	vld [tilespmem:s10+$0xFFFFFFC0];
	[tilespmem:s19+$0xFFFFFF30] =	vst v6  }
0x5e: {  	v6 =	vld [tilespmem:s10+$0x0];
	[tilespmem:s19+$0xFFFFFF70] =	vst v3;
	v3 =	vshll.u32 v2, $0x10;
	v2 =	vand.u32 $0xFFFF0000, v2  }
0x5f: {  	s9 =	sadd.s32 $0x4, s9;
	v7 =	vld [tilespmem:s10+$0xFFFFFF80];
	[tilespmem:s19+$0xFFFFFFB0] =	vst v3  }
0x60: {  	p1 =	slt.u32 s9, $0xBC;
	[tilespmem:s19+$0xFFFFFFF0] =	vst v2;
	v2 =	vld [tilespmem:s21+$0x30];
	s21 =	smov.u32 s10  }
0x61: {  	s19 =	sadd.s32 $0x200, s19;
	v3 =	vshll.u32 v5, $0x10;
	[tilespmem:s7+$0xB0] =	vst v1  }
0x62: {  	v5 =	vand.u32 $0xFFFF0000, v5;
	v1 =	vshll.u32 v4, $0x10;
	v4 =	vand.u32 $0xFFFF0000, v4;
	[tilespmem:s19+$0x80] =	vst v3  }
0x63: {  	v3 =	vshll.u32 v6, $0x10;
	v6 =	vand.u32 $0xFFFF0000, v6;
	[tilespmem:s19+$0xC0] =	vst v5  }
0x64: {  	v5 =	vshll.u32 v7, $0x10;
	v7 =	vand.u32 $0xFFFF0000, v7;
	[tilespmem:s19+$0xFFFFFF80] =	vst v1;
	v1 =	vld [tilespmem:s10+$0x50]  }
0x65: {  	[tilespmem:s19+$0xFFFFFF00] =	vst v5;
	v5 =	vshll.u32 v2, $0x10;
	v8 =	vand.u32 $0xFFFF0000, v2  }
0x66: {  	[tilespmem:s19+$0xFFFFFF40] =	vst v7  }
0x67: {  	v2 =	vld [tilespmem:s10+$0xFFFFFF90];
	[tilespmem:s19+$0xFFFFFFC0] =	vst v4  }
0x68: {  	v4 =	vld [tilespmem:s10+$0xFFFFFFD0];
	[tilespmem:s19+$0x0] =	vst v3  }
0x69: {  	[tilespmem:s19+$0x40] =	vst v6;
	v3 =	vshll.u32 v1, $0x10  }
0x6a: {  	v1 =	vand.u32 $0xFFFF0000, v1;
	v6 =	vld [tilespmem:s10+$0x10];
	[tilespmem:s19+$0x90] =	vst v3  }
0x6b: {  	[tilespmem:s19+$0xD0] =	vst v1  }
0x6c: {  	v1 =	vshll.u32 v2, $0x10;
	v2 =	vand.u32 $0xFFFF0000, v2;
	v3 =	vld [tilespmem:s10+$0x60];
	[tilespmem:s7+$0x30] =	vst v5  }
0x6d: {  	[tilespmem:s19+$0xFFFFFF10] =	vst v1;
	v1 =	vshll.u32 v4, $0x10;
	v4 =	vand.u32 $0xFFFF0000, v4  }
0x6e: {  	[tilespmem:s19+$0xFFFFFF50] =	vst v2  }
0x6f: {  	v2 =	vld [tilespmem:s10+$0xFFFFFFA0];
	[tilespmem:s19+$0xFFFFFF90] =	vst v1;
	v1 =	vshll.u32 v6, $0x10;
	v5 =	vand.u32 $0xFFFF0000, v6  }
0x70: {  	[tilespmem:s19+$0xFFFFFFD0] =	vst v4  }
0x71: {  	v4 =	vld [tilespmem:s10+$0xFFFFFFE0];
	[tilespmem:s19+$0x10] =	vst v1;
	v1 =	vshll.u32 v3, $0x10  }
0x72: {  	v3 =	vand.u32 $0xFFFF0000, v3;
	[tilespmem:s19+$0xA0] =	vst v1  }
0x73: {  	[tilespmem:s19+$0xE0] =	vst v3  }
0x74: {  	v1 =	vshll.u32 v2, $0x10;
	v2 =	vand.u32 $0xFFFF0000, v2;
	[tilespmem:s19+$0x50] =	vst v5;
	v5 =	vld [tilespmem:s10+$0x70]  }
0x75: {  	[tilespmem:s19+$0xFFFFFF20] =	vst v1;
	v6 =	vld [tilespmem:s10+$0x20]  }
0x76: {  	[tilespmem:s19+$0xFFFFFF60] =	vst v2;
	v1 =	vshll.u32 v4, $0x10;
	v2 =	vand.u32 $0xFFFF0000, v4  }
.Ltmp1:
0x77: {  	v3 =	vld [tilespmem:s10+$0xFFFFFFB0];
	[tilespmem:s19+$0xFFFFFFA0] =	vst v1;
	(pc) =	sbr.rel @p1 .LBB2_5-.Ltmp1, $4  }
0x78: {  	[tilespmem:s19+$0xFFFFFFE0] =	vst v2  }
0x79: {  	v2 =	vld [tilespmem:s10+$0xFFFFFFF0];
	v1 =	vshll.u32 v5, $0x10;
	v5 =	vand.u32 $0xFFFF0000, v5;
	[tilespmem:s7+$0x70] =	vst v8;
	s7 =	smov.u32 s19  }
0x7a: {  	v7 =	vshll.u32 v6, $0x10;
	v4 =	vand.u32 $0xFFFF0000, v6;
	[tilespmem:s19+$0xF0] =	vst v5  }
0x7b: {  	s10 =	sadd.s32 $0x100, s10;
	[tilespmem:s19+$0x20] =	vst v7  }
0x7c: {  	[tilespmem:s19+$0x60] =	vst v4  }
0x7d: {  	v5 =	vld [tilespmem:s21+$0x30]  }
0x7e: {  	v4 =	vshll.u32 v3, $0x10;
	[tilespmem:s7+$0xB0] =	vst v1  }
0x7f: {  	v3 =	vand.u32 $0xFFFF0000, v3;
	[tilespmem:s19+$0xFFFFFF30] =	vst v4  }
0x80: {  	[tilespmem:s19+$0xFFFFFF70] =	vst v3;
	v3 =	vshll.u32 v2, $0x10  }
0x81: {  	s9 =	smul.u32 $0x600, s1;
	v2 =	vand.u32 $0xFFFF0000, v2;
	[tilespmem:s19+$0xFFFFFFB0] =	vst v3  }
0x82: {  	[tilespmem:s19+$0xFFFFFFF0] =	vst v2;
	v1 =	vshll.u32 v5, $0x10  }
0x83: {  	s9 =	sshra.s32 s9, $0x2;
	v2 =	vand.u32 $0xFFFF0000, v5;
	[tilespmem:s7+$0x30] =	vst v1  }
0x84: {  	s4 =	sadd.s32 $0x2, s4;
	s21 =	sadd.s32 $0x3600, s9;
	[tilespmem:s7+$0x70] =	vst v2  }
0x85: {  	[spmem:s2] =	stream.indirect.scatter.add.f32 [tilespmem:s23], [sflag:$0x2], $0x80, s21, s20, $0xb8;
	[tilespmem:$0x1E480] =	vst v63  }
0x86: {  	p1 =	sge.u32 s4, s6  }
0x87: {  	[spmem:s3] =	stream.indirect.scatter.add.f32 [tilespmem:s24], [sflag:$0x4], $0x10, s21, s20, $0xb8;
	[tilespmem:$0x1E480] =	vst v63  }
0x88: {  	s4 =	smul.u32 @!p1 $0x300, s4;
	_ =	swait.ge [sflag:s22], $0x3000  }
0x89: {  	s9 =	simm.s32 @!p1 $0x6C00;
	[sflag:s22] =	ssyncset.done $0x0  }
0x8a: {  	s4 =	sshra.s32 @!p1 s4, $0x2;
	s7 =	simm.s32 @!p1 $0xC0;
	[sflag:s22] =	ssyncadd.s32 $0xFFFFD000  }
0x8b: {  	[tilespmem:s9], [sflag:$0x1] =	stream.indirect.gather @!p1 [hbm4b:s5+s7], $0x40, s4, s7, $0xb8;
	[tilespmem:$0x1E480] =	vst v63  }
0x8c: {  	s4 =	simm.s32 @!p0 $0x3  }
0x8d: {  	_ =	swait.ge @!p0 [sflag:s4], $0x6000  }
0x8e: {  	[sflag:s4] =	ssyncset.done @!p0 $0x0  }
0x8f: {  	[sflag:s4] =	ssyncadd.s32 @!p0 $0xFFFFA000;
	s4 =	simm.s32 @!p0 $0x5  }
0x90: {  	_ =	swait.ge @!p0 [sflag:s4], $0xC00  }
0x91: {  	[sflag:s4] =	ssyncset.done @!p0 $0x0  }
0x92: {  	s21 =	simm.s32 $0x9C80;
	[sflag:s4] =	ssyncadd.s32 @!p0 $0xFFFFF400  }
0x93: {  	v1 =	vld [tilespmem:s21+$0x40];
	_ =	sdelay $0x1  }
0x94: {  	v2 =	vld [tilespmem:s21+$0xFFFFFFC0]  }
0x95: {  	v3 =	vld [tilespmem:s21+$0xFFFFFF80];
	_ =	sdelay $0x1  }
0x96: {  	s19 =	simm.s32 $0x12D00;
	v4 =	vshll.u32 v1, $0x10  }
0x97: {  	v5 =	vld [tilespmem:s21+$0x0];
	v1 =	vand.u32 $0xFFFF0000, v1;
	[tilespmem:s19+$0x80] =	vst v4  }
0x98: {  	v4 =	vshll.u32 v2, $0x10;
	[tilespmem:s19+$0xC0] =	vst v1  }
0x99: {  	v1 =	vshll.u32 v3, $0x10;
	[tilespmem:s19+$0xFFFFFF80] =	vst v4;
	v4 =	vld [tilespmem:s21+$0x50]  }
0x9a: {  	v3 =	vand.u32 $0xFFFF0000, v3;
	[tilespmem:s19+$0xFFFFFF00] =	vst v1  }
0x9b: {  	v1 =	vand.u32 $0xFFFF0000, v2;
	[tilespmem:s19+$0xFFFFFF40] =	vst v3  }
0x9c: {  	v2 =	vshll.u32 v5, $0x10;
	v3 =	vld [tilespmem:s21+$0xFFFFFF90];
	[tilespmem:s19+$0xFFFFFFC0] =	vst v1  }
0x9d: {  	v1 =	vand.u32 $0xFFFF0000, v5;
	[tilespmem:s19+$0x0] =	vst v2  }
0x9e: {  	v2 =	vld [tilespmem:s21+$0xFFFFFFD0];
	[tilespmem:s19+$0x40] =	vst v1;
	v1 =	vshll.u32 v4, $0x10  }
0x9f: {  	v4 =	vand.u32 $0xFFFF0000, v4;
	[tilespmem:s19+$0x90] =	vst v1  }
0xa0: {  	v1 =	vld [tilespmem:s21+$0x10];
	[tilespmem:s19+$0xD0] =	vst v4  }
0xa1: {  	v4 =	vshll.u32 v3, $0x10;
	v5 =	vld [tilespmem:s21+$0x60]  }
0xa2: {  	v3 =	vand.u32 $0xFFFF0000, v3;
	[tilespmem:s19+$0xFFFFFF10] =	vst v4  }
0xa3: {  	v4 =	vshll.u32 v2, $0x10;
	[tilespmem:s19+$0xFFFFFF50] =	vst v3  }
0xa4: {  	v2 =	vand.u32 $0xFFFF0000, v2;
	[tilespmem:s19+$0xFFFFFF90] =	vst v4  }
0xa5: {  	v3 =	vld [tilespmem:s21+$0xFFFFFFA0];
	[tilespmem:s19+$0xFFFFFFD0] =	vst v2;
	v4 =	vshll.u32 v1, $0x10  }
0xa6: {  	[tilespmem:s19+$0x10] =	vst v4;
	v2 =	vshll.u32 v5, $0x10  }
0xa7: {  	v4 =	vld [tilespmem:s21+$0xFFFFFFE0];
	v5 =	vand.u32 $0xFFFF0000, v5;
	[tilespmem:s19+$0xA0] =	vst v2  }
0xa8: {  	v1 =	vand.u32 $0xFFFF0000, v1;
	[tilespmem:s19+$0xE0] =	vst v5  }
0xa9: {  	[tilespmem:s19+$0x50] =	vst v1;
	v1 =	vld [tilespmem:s21+$0x70]  }
0xaa: {  	v2 =	vshll.u32 v3, $0x10  }
0xab: {  	v5 =	vld [tilespmem:s21+$0x20];
	v3 =	vand.u32 $0xFFFF0000, v3;
	[tilespmem:s19+$0xFFFFFF20] =	vst v2  }
0xac: {  	[tilespmem:s19+$0xFFFFFF60] =	vst v3;
	v3 =	vand.u32 $0xFFFF0000, v4  }
0xad: {  	v2 =	vshll.u32 v4, $0x10;
	[tilespmem:s19+$0xFFFFFFE0] =	vst v3;
	v3 =	vld [tilespmem:s21+$0xFFFFFFB0]  }
0xae: {  	[tilespmem:s19+$0xFFFFFFA0] =	vst v2;
	v2 =	vand.u32 $0xFFFF0000, v1  }
0xaf: {  	[tilespmem:s19+$0xF0] =	vst v2;
	v2 =	vld [tilespmem:s21+$0xFFFFFFF0]  }
0xb0: {  	v6 =	vshll.u32 v5, $0x10  }
0xb1: {  	s7 =	simm.s32 $0x0;
	s9 =	simm.s32 $0x9D80;
	s4 =	simm.s32 $0x12D00;
	v4 =	vand.u32 $0xFFFF0000, v5;
	v1 =	vshll.u32 v1, $0x10;
	[tilespmem:s19+$0x20] =	vst v6  }
.LBB2_7:
0xb2: {  	v5 =	vld [tilespmem:s9+$0x40];
	v6 =	vshll.u32 v3, $0x10;
	v3 =	vand.u32 $0xFFFF0000, v3;
	[tilespmem:s19+$0x60] =	vst v4  }
0xb3: {  	v4 =	vld [tilespmem:s9+$0xFFFFFFC0];
	[tilespmem:s19+$0xFFFFFF30] =	vst v6  }
0xb4: {  	v6 =	vld [tilespmem:s9+$0x0];
	[tilespmem:s19+$0xFFFFFF70] =	vst v3;
	v3 =	vshll.u32 v2, $0x10;
	v2 =	vand.u32 $0xFFFF0000, v2  }
0xb5: {  	s7 =	sadd.s32 $0x4, s7;
	v7 =	vld [tilespmem:s9+$0xFFFFFF80];
	[tilespmem:s19+$0xFFFFFFB0] =	vst v3  }
0xb6: {  	p0 =	slt.u32 s7, $0xBC;
	[tilespmem:s19+$0xFFFFFFF0] =	vst v2;
	v2 =	vld [tilespmem:s21+$0x30];
	s21 =	smov.u32 s9  }
0xb7: {  	s19 =	sadd.s32 $0x200, s19;
	v3 =	vshll.u32 v5, $0x10;
	[tilespmem:s4+$0xB0] =	vst v1  }
0xb8: {  	v5 =	vand.u32 $0xFFFF0000, v5;
	v1 =	vshll.u32 v4, $0x10;
	v4 =	vand.u32 $0xFFFF0000, v4;
	[tilespmem:s19+$0x80] =	vst v3  }
0xb9: {  	v3 =	vshll.u32 v6, $0x10;
	v6 =	vand.u32 $0xFFFF0000, v6;
	[tilespmem:s19+$0xC0] =	vst v5  }
0xba: {  	v5 =	vshll.u32 v7, $0x10;
	v7 =	vand.u32 $0xFFFF0000, v7;
	[tilespmem:s19+$0xFFFFFF80] =	vst v1;
	v1 =	vld [tilespmem:s9+$0x50]  }
0xbb: {  	[tilespmem:s19+$0xFFFFFF00] =	vst v5;
	v5 =	vshll.u32 v2, $0x10;
	v8 =	vand.u32 $0xFFFF0000, v2  }
0xbc: {  	[tilespmem:s19+$0xFFFFFF40] =	vst v7  }
0xbd: {  	v2 =	vld [tilespmem:s9+$0xFFFFFF90];
	[tilespmem:s19+$0xFFFFFFC0] =	vst v4  }
0xbe: {  	v4 =	vld [tilespmem:s9+$0xFFFFFFD0];
	[tilespmem:s19+$0x0] =	vst v3  }
0xbf: {  	[tilespmem:s19+$0x40] =	vst v6;
	v3 =	vshll.u32 v1, $0x10  }
0xc0: {  	v1 =	vand.u32 $0xFFFF0000, v1;
	v6 =	vld [tilespmem:s9+$0x10];
	[tilespmem:s19+$0x90] =	vst v3  }
0xc1: {  	[tilespmem:s19+$0xD0] =	vst v1  }
0xc2: {  	v1 =	vshll.u32 v2, $0x10;
	v2 =	vand.u32 $0xFFFF0000, v2;
	v3 =	vld [tilespmem:s9+$0x60];
	[tilespmem:s4+$0x30] =	vst v5  }
0xc3: {  	[tilespmem:s19+$0xFFFFFF10] =	vst v1;
	v1 =	vshll.u32 v4, $0x10;
	v4 =	vand.u32 $0xFFFF0000, v4  }
0xc4: {  	[tilespmem:s19+$0xFFFFFF50] =	vst v2  }
0xc5: {  	v2 =	vld [tilespmem:s9+$0xFFFFFFA0];
	[tilespmem:s19+$0xFFFFFF90] =	vst v1;
	v1 =	vshll.u32 v6, $0x10;
	v5 =	vand.u32 $0xFFFF0000, v6  }
0xc6: {  	[tilespmem:s19+$0xFFFFFFD0] =	vst v4  }
0xc7: {  	v4 =	vld [tilespmem:s9+$0xFFFFFFE0];
	[tilespmem:s19+$0x10] =	vst v1;
	v1 =	vshll.u32 v3, $0x10  }
0xc8: {  	v3 =	vand.u32 $0xFFFF0000, v3;
	[tilespmem:s19+$0xA0] =	vst v1  }
0xc9: {  	[tilespmem:s19+$0xE0] =	vst v3  }
0xca: {  	v1 =	vshll.u32 v2, $0x10;
	v2 =	vand.u32 $0xFFFF0000, v2;
	[tilespmem:s19+$0x50] =	vst v5;
	v5 =	vld [tilespmem:s9+$0x70]  }
0xcb: {  	[tilespmem:s19+$0xFFFFFF20] =	vst v1;
	v6 =	vld [tilespmem:s9+$0x20]  }
0xcc: {  	[tilespmem:s19+$0xFFFFFF60] =	vst v2;
	v1 =	vshll.u32 v4, $0x10;
	v2 =	vand.u32 $0xFFFF0000, v4  }
.Ltmp2:
0xcd: {  	v3 =	vld [tilespmem:s9+$0xFFFFFFB0];
	[tilespmem:s19+$0xFFFFFFA0] =	vst v1;
	(pc) =	sbr.rel @p0 .LBB2_7-.Ltmp2, $4  }
0xce: {  	[tilespmem:s19+$0xFFFFFFE0] =	vst v2  }
0xcf: {  	v2 =	vld [tilespmem:s9+$0xFFFFFFF0];
	v1 =	vshll.u32 v5, $0x10;
	v5 =	vand.u32 $0xFFFF0000, v5;
	[tilespmem:s4+$0x70] =	vst v8;
	s4 =	smov.u32 s19  }
0xd0: {  	v7 =	vshll.u32 v6, $0x10;
	v4 =	vand.u32 $0xFFFF0000, v6;
	[tilespmem:s19+$0xF0] =	vst v5  }
0xd1: {  	s9 =	sadd.s32 $0x100, s9;
	[tilespmem:s19+$0x20] =	vst v7  }
0xd2: {  	[tilespmem:s19+$0x60] =	vst v4  }
0xd3: {  	v5 =	vld [tilespmem:s21+$0x30]  }
0xd4: {  	v63 =	vshll.u32 v3, $0x10;
	[tilespmem:s4+$0xB0] =	vst v1  }
0xd5: {  	v3 =	vand.u32 $0xFFFF0000, v3;
	[tilespmem:s19+$0xFFFFFF30] =	vst v63  }
0xd6: {  	[tilespmem:s19+$0xFFFFFF70] =	vst v3;
	v3 =	vshll.u32 v2, $0x10  }
0xd7: {  	s0 =	smul.u32 $0x300, s0;
	s1 =	sadd.s32 $0x1, s1;
	v2 =	vand.u32 $0xFFFF0000, v2;
	[tilespmem:s19+$0xFFFFFFB0] =	vst v3  }
0xd8: {  	p0 =	sne.s32 s1, s12;
	[tilespmem:s19+$0xFFFFFFF0] =	vst v2;
	v1 =	vshll.u32 v5, $0x10  }
.Ltmp3:
0xd9: {  	s0 =	sshra.s32 s0, $0x2;
	v2 =	vand.u32 $0xFFFF0000, v5;
	[tilespmem:s4+$0x30] =	vst v1;
	(pc) =	sbr.rel @p0 .LBB2_4-.Ltmp3, $4  }
0xda: {  	s0 =	sadd.s32 $0x3600, s0;
	[tilespmem:s4+$0x70] =	vst v2  }
0xdb: {  	[spmem:s2] =	stream.indirect.scatter.add.f32 [tilespmem:s25], [sflag:$0x3], $0x80, s0, s20, $0xb8;
	[tilespmem:$0x1E480] =	vst v63  }
0xdc: {  	_ = 	snop  }
0xdd: {  	[spmem:s3] =	stream.indirect.scatter.add.f32 [tilespmem:s24], [sflag:$0x5], $0x10, s0, s20, $0xb8;
	[tilespmem:$0x1E480] =	vst v63  }
0xde: {  	_ =	swait.ge [sflag:s26], $0x6000  }
0xdf: {  	[sflag:s26] =	ssyncset.done $0x0  }
0xe0: {  	[sflag:s26] =	ssyncadd.s32 $0xFFFFA000  }
0xe1: {  	_ =	swait.ge [sflag:s28], $0xC00  }
0xe2: {  	[sflag:s28] =	ssyncset.done $0x0  }
0xe3: {  	[sflag:s28] =	ssyncadd.s32 $0xFFFFF400  }
0xe4: {  	_ =	swait.ge [sflag:s29], $0x6000  }
0xe5: {  	[sflag:s29] =	ssyncset.done $0x0  }
0xe6: {  	[sflag:s29] =	ssyncadd.s32 $0xFFFFA000  }
0xe7: {  	_ =	swait.ge [sflag:s30], $0xC00  }
0xe8: {  	[sflag:s30] =	ssyncset.done $0x0  }
0xe9: {  	[sflag:s30] =	ssyncadd.s32 $0xFFFFF400  }
0xea: {  	[bflag:$0x0] =	sbarrier.arrive $0xFFFF  }
0xeb: {  	[hbm:s13], [sflag:s8] =	dma.local [spmem:s16], $0x880  }
0xec: {  	s31 =	sadd.s32 $0x1, s31;
	_ =	swait.ge [sflag:s17], $0x880  }
0xed: {  	p0 =	sne.s32 s31, s15;
	[sflag:s17] =	ssyncset.done $0x0  }
.Ltmp4:
0xee: {  	[sflag:s17] =	ssyncadd.s32 $0xFFFFF780;
	(pc) =	sbr.rel @p0 .LBB2_1-.Ltmp4, $4  }
0xef: {  	[hbm:s14], [sflag:s8] =	dma.local [spmem:s18], $0x110  }
0xf0: {  	_ =	swait.ge [sflag:s17], $0x110  }
0xf1: {  	[sflag:s17] =	ssyncset.done $0x0  }
0xf2: {  	[sflag:s17] =	ssyncadd.s32 $0xFFFFFEF0  }
0xf3: {  	_ =	sfence.sel $0x180000  }
0xf4: {  	[bflag:$0x0] =	sbarrier.arrive $0xFFFF  }
0xf5: {  	_ =	strace $0x90000047  }
0xf6: {  	s0 =	stileid.u32;
	[bflag:$0x2] =	sbarrier.arrive $0xFFFF  }
0xf7: {  	p0 =	sne.s32 s0, $0x0;
	s0 =	rddreg [dreg:$0x4]  }
0xf8: {  	s0 =	sadd.s32 @!p0 $0x100000, s0  }
0xf9: {  	[sflag:s0] =	ssyncadd.tile.s32 @!p0 $0x1;
	_ =	shalt  }
.Lfunc_end2:
_tile_overlayer_lowered:
.L_overlay_start_2:
0xfa: {  	(tag) =	ssettag $0x2  }
0xfb: {  	s0 =	rddreg [dreg:$0x0];
	s2 =	stileid.u32  }
0xfc: {  	s1 =	rddreg [dreg:$0x1];
	p0 =	sne.s32 s2, $0x0  }
0xfd: {  	s3 =	rddreg [dreg:$0x2];
	[bflag:$0x3] =	sbarrier.arrive $0xFFFF;
	s2 =	simm.s32 @!p0 $0x1C06  }
0xfe: {  	[timem:s3], [sflag:s2] =	dma.local @!p0 [hbm:s0], s1  }
0xff: {  	s0 =	simm.s32 @!p0 $0x6  }
0x100: {  	_ =	swait.ge @!p0 [sflag:s0], s1  }
0x101: {  	s1 =	ssub.s32 @!p0 $0x0, s1;
	[sflag:s0] =	ssyncset.done @!p0 $0x0  }
0x102: {  	[sflag:s0] =	ssyncadd.s32 @!p0 s1  }
0x103: {  	[bflag:$0x3] =	sbarrier.arrive $0xFFFF  }
0x104: {  	_ =	shalt  }

</sc_bundles>
